<compile_context>
chip_gen: v7x
topology: tpu7x:2x2x1
jax: 0.10.2.dev20260603
libtpu: 0.0.44.dev20260713+nightly
codegen_flags: <defaults>
</compile_context>

<pallas_src>
import jax
import jax.numpy as jnp
from jax import lax
from jax.experimental import pallas as pl
from jax.experimental.pallas import tpu as pltpu
from jax.experimental.pallas import tpu_sc as plsc

VOCAB = 100000
N_EMBD = 128
N_CTX = 2048
BATCH = 64
SEQ = 2048

NC = 2
NS = 16
NW = NC * NS
LANES = 16

ROWS_PER_C = 128
NCHUNK = BATCH * SEQ // (NW * ROWS_PER_C)
NBUF = 3
POS_STAGE = SEQ // NS


def _embed_body(ids_hbm, tok_hbm, pos_hbm, out_hbm,
                idx_all, iota_v, rows0, rows1, rows2, pos_sp,
                gs0, gs1, gs2, ps0, ps1, ps2, ws0, ws1, ws2):
    cid = lax.axis_index("c")
    sid = lax.axis_index("s")
    wid = sid * NC + cid
    rows = (rows0, rows1, rows2)
    gsem = (gs0, gs1, gs2)
    psem = (ps0, ps1, ps2)
    wsem = (ws0, ws1, ws2)

    pltpu.sync_copy(pos_hbm.at[pl.ds(sid * POS_STAGE, POS_STAGE)], rows0)
    pltpu.sync_copy(rows0, pos_sp.at[pl.ds(sid * POS_STAGE, POS_STAGE)])
    pltpu.sync_copy(ids_hbm.at[wid], idx_all)

    def iota_body(t, _):
        iota_v[pl.ds(t * LANES, LANES)] = lax.iota(jnp.int32, LANES) + t * LANES
        return 0

    lax.fori_loop(0, SEQ // LANES, iota_body, 0)
    plsc.subcore_barrier()

    def fire_gather(c, k):
        pltpu.make_async_copy(tok_hbm.at[idx_all.at[c]], rows[k], gsem[k]).start()

    def wait_gather(c, k):
        pltpu.make_async_copy(tok_hbm.at[idx_all.at[c]], rows[k], gsem[k]).wait()

    def posidx(c):
        return iota_v.at[pl.ds((c % (SEQ // ROWS_PER_C)) * ROWS_PER_C,
                               ROWS_PER_C)]

    def fire_posadd(c, k):
        pltpu.make_async_copy(pos_sp.at[posidx(c)], rows[k],
                              psem[k]).start(add=True)

    def wait_posadd(c, k):
        pltpu.make_async_copy(pos_sp.at[posidx(c)], rows[k], psem[k]).wait()

    def fire_write(c, k):
        pltpu.make_async_copy(rows[k], out_hbm.at[wid, c], wsem[k]).start()

    def wait_write(c, k):
        pltpu.make_async_copy(rows[k], out_hbm.at[wid, c], wsem[k]).wait()

    fire_gather(0, 0)

    fire_gather(1, 1)
    wait_gather(0, 0)
    fire_posadd(0, 0)

    fire_gather(2, 2)
    wait_gather(1, 1)
    fire_posadd(1, 1)
    wait_posadd(0, 0)
    fire_write(0, 0)

    wait_write(0, 0)
    fire_gather(3, 0)
    wait_gather(2, 2)
    fire_posadd(2, 2)
    wait_posadd(1, 1)
    fire_write(1, 1)

    def group(g, _):
        for u in range(NBUF):
            c = g * NBUF + u
            k = u
            kn = (u + 1) % NBUF
            kp = (u + 2) % NBUF
            wait_write(c - 2, kn)
            fire_gather(c + 1, kn)
            wait_gather(c, k)
            fire_posadd(c, k)
            wait_posadd(c - 1, kp)
            fire_write(c - 1, kp)
        return 0

    lax.fori_loop(1, (NCHUNK - 2) // NBUF, group, 0)

    c = NCHUNK - 2
    wait_write(c - 2, 1)
    fire_gather(c + 1, 1)
    wait_gather(c, 0)
    fire_posadd(c, 0)
    wait_posadd(c - 1, 2)
    fire_write(c - 1, 2)

    c = NCHUNK - 1
    wait_write(c - 2, 2)
    wait_gather(c, 1)
    fire_posadd(c, 1)
    wait_posadd(c - 1, 0)
    fire_write(c - 1, 0)
    wait_posadd(c, 1)
    fire_write(c, 1)
    wait_write(c - 1, 0)
    wait_write(c, 1)


@jax.jit
def _embed(ids_r, tok_table, pos_table):
    mesh = plsc.VectorSubcoreMesh(core_axis_name="c", subcore_axis_name="s")
    return pl.kernel(
        _embed_body,
        out_type=jax.ShapeDtypeStruct((NW, NCHUNK, ROWS_PER_C, N_EMBD),
                                      jnp.float32),
        mesh=mesh,
        scratch_types=[
            pltpu.VMEM((NCHUNK, ROWS_PER_C), jnp.int32),
            pltpu.VMEM((SEQ,), jnp.int32),
            pltpu.VMEM((ROWS_PER_C, N_EMBD), jnp.float32),
            pltpu.VMEM((ROWS_PER_C, N_EMBD), jnp.float32),
            pltpu.VMEM((ROWS_PER_C, N_EMBD), jnp.float32),
            pltpu.VMEM_SHARED((SEQ, N_EMBD), jnp.float32),
            pltpu.SemaphoreType.DMA,
            pltpu.SemaphoreType.DMA,
            pltpu.SemaphoreType.DMA,
            pltpu.SemaphoreType.DMA,
            pltpu.SemaphoreType.DMA,
            pltpu.SemaphoreType.DMA,
            pltpu.SemaphoreType.DMA,
            pltpu.SemaphoreType.DMA,
            pltpu.SemaphoreType.DMA,
        ],
    )(ids_r, tok_table, pos_table)


def kernel(ids, tok_table, pos_table):
    B, L = ids.shape
    ids_r = ids.astype(jnp.int32).reshape(NW, NCHUNK, ROWS_PER_C)
    out = _embed(ids_r, tok_table, pos_table)
    attn_mask = jnp.ones((B, 1, 1, L), dtype=bool)
    return out.reshape(B, L, N_EMBD), attn_mask

# --- scband reference (transcript-rebuilt; emitter-appended) ---
"""Pipeline reference for scband-input-preprocess-29111288333145 (READ-ONLY COPY).

The authoritative reference and input builder live on the scoring server;
editing this copy changes nothing except your own understanding.
"""

import jax, jax.numpy as jnp
import numpy as np

VOCAB = 100000
N_EMBD = 128
N_CTX = 2048
BATCH = 64
SEQ = 2048


def setup_inputs(seed: int = 0) -> dict:
    key = jax.random.key(seed)
    k1, k2, k3 = jax.random.split(key, 3)
    ids = jax.random.randint(k1, (BATCH, SEQ), 0, VOCAB, dtype=jnp.int64 if jax.config.jax_enable_x64 else jnp.int32)
    tok_table = jax.random.normal(k2, (VOCAB, N_EMBD), dtype=jnp.float32) * 0.02
    pos_table = jax.random.normal(k3, (N_CTX, N_EMBD), dtype=jnp.float32) * 0.02
    return {"ids": ids, "tok_table": tok_table, "pos_table": pos_table}


def reference(ids, tok_table, pos_table):
    # Tokenizer step is replaced by pre-tokenized ids; all sequences are
    # full-length (max_length == SEQ), so the padding mask is all ones.
    B, L = ids.shape
    attn_mask = jnp.ones((B, 1, 1, L), dtype=bool)
    embd_vecs = jnp.take(tok_table, ids, axis=0)            # [B, L, D] gather
    pos_embd_vecs = jnp.take(pos_table, jnp.arange(L), axis=0)[None, :, :]  # [1, L, D]
    return embd_vecs + pos_embd_vecs, attn_mask

if __name__ == "__main__":
    import jax
    _d = setup_inputs()
    print(jax.jit(kernel)(*tuple(_d.values())))

</pallas_src>

<mosaic_0001>
#map = affine_map<(d0, d1) -> (0, 0, 0)>
#map1 = affine_map<(d0, d1) -> (0, 0)>
#map2 = affine_map<(d0, d1) -> (0, 0, 0, 0)>
module attributes {stable_mosaic.version = 14 : i64} {
  func.func @_embed_body(%arg0: i32, %arg1: i32, %arg2: memref<32x32x128xi32, #tpu.memory_space<hbm>>, %arg3: memref<100000x128xf32, #tpu.memory_space<hbm>>, %arg4: memref<2048x128xf32, #tpu.memory_space<hbm>>, %arg5: memref<32x32x128x128xf32, #tpu.memory_space<hbm>>, %arg6: memref<32x128xi32, #tpu.memory_space<vmem>>, %arg7: memref<2048xi32, #tpu.memory_space<vmem>>, %arg8: memref<128x128xf32, #tpu.memory_space<vmem>>, %arg9: memref<128x128xf32, #tpu.memory_space<vmem>>, %arg10: memref<128x128xf32, #tpu.memory_space<vmem>>, %arg11: memref<2048x128xf32, #tpu.memory_space<vmem_shared>>, %arg12: memref<!tpu.dma_semaphore, #tpu.memory_space<semaphore_mem>>, %arg13: memref<!tpu.dma_semaphore, #tpu.memory_space<semaphore_mem>>, %arg14: memref<!tpu.dma_semaphore, #tpu.memory_space<semaphore_mem>>, %arg15: memref<!tpu.dma_semaphore, #tpu.memory_space<semaphore_mem>>, %arg16: memref<!tpu.dma_semaphore, #tpu.memory_space<semaphore_mem>>, %arg17: memref<!tpu.dma_semaphore, #tpu.memory_space<semaphore_mem>>, %arg18: memref<!tpu.dma_semaphore, #tpu.memory_space<semaphore_mem>>, %arg19: memref<!tpu.dma_semaphore, #tpu.memory_space<semaphore_mem>>, %arg20: memref<!tpu.dma_semaphore, #tpu.memory_space<semaphore_mem>>) attributes {dimension_semantics = [#tpu.dimension_semantics<core_parallel>, #tpu.dimension_semantics<subcore_parallel>], iteration_bounds = array<i64: 2, 16>, scalar_prefetch = 0 : i64, scratch_operands = 15 : i64, tpu.core_type = #tpu.core_type<sc_vector_subcore>, window_params = [{transform_indices = #map}, {transform_indices = #map1}, {transform_indices = #map1}, {transform_indices = #map2}]} {
    %mul3A = arith.constant 2 : i32
    %mul3A_0 = arith.muli %arg1, %mul3A : i32
    %add3A = arith.addi %mul3A_0, %arg0 : i32
    %mul3A_1 = arith.constant 128 : i32
    %mul3A_2 = arith.muli %arg1, %mul3A_1 : i32
    "tpu.region"() ({
      %run_scoped3A = tpu.sem_alloc : memref<!tpu.dma_semaphore, #tpu.memory_space<semaphore_mem>>
      %dma_start3A_226 = arith.constant 0 : i32
      %dma_start3A_227 = tpu.memref_slice %arg4[%mul3A_2, %dma_start3A_226] : memref<2048x128xf32, #tpu.memory_space<hbm>> -> memref<128x128xf32, #tpu.memory_space<hbm>>
      %dma_start3A_228 = arith.constant 0 : i32
      %dma_start3A_229 = tpu.memref_slice %arg4[%mul3A_2, %dma_start3A_228] : memref<2048x128xf32, #tpu.memory_space<hbm>> -> memref<128x128xf32, #tpu.memory_space<hbm>>
      tpu.enqueue_dma source(%dma_start3A_229 : memref<128x128xf32, #tpu.memory_space<hbm>>) target(%arg8 : memref<128x128xf32, #tpu.memory_space<vmem>>) target_semaphore(%run_scoped3A : memref<!tpu.dma_semaphore, #tpu.memory_space<semaphore_mem>>)
      %dma_wait3A_230 = arith.constant 0 : i32
      %dma_wait3A_231 = tpu.memref_slice %arg4[%mul3A_2, %dma_wait3A_230] : memref<2048x128xf32, #tpu.memory_space<hbm>> -> memref<128x128xf32, #tpu.memory_space<hbm>>
      %dma_wait3A_232 = arith.constant 0 : i32
      %dma_wait3A_233 = tpu.memref_slice %arg4[%mul3A_2, %dma_wait3A_232] : memref<2048x128xf32, #tpu.memory_space<hbm>> -> memref<128x128xf32, #tpu.memory_space<hbm>>
      tpu.wait_dma2 semaphore(%run_scoped3A : memref<!tpu.dma_semaphore, #tpu.memory_space<semaphore_mem>>) src(%dma_wait3A_233 : memref<128x128xf32, #tpu.memory_space<hbm>>) dst(%arg8 : memref<128x128xf32, #tpu.memory_space<vmem>>)
      tpu.yield
    }) : () -> ()
    %mul3A_3 = arith.constant 128 : i32
    %mul3A_4 = arith.muli %arg1, %mul3A_3 : i32
    "tpu.region"() ({
      %run_scoped3A = tpu.sem_alloc : memref<!tpu.dma_semaphore, #tpu.memory_space<semaphore_mem>>
      %dma_start3A_226 = arith.constant 0 : i32
      %dma_start3A_227 = tpu.memref_slice %arg11[%mul3A_4, %dma_start3A_226] : memref<2048x128xf32, #tpu.memory_space<vmem_shared>> -> memref<128x128xf32, #tpu.memory_space<vmem_shared>>
      %dma_start3A_228 = arith.constant 0 : i32
      %dma_start3A_229 = tpu.memref_slice %arg11[%mul3A_4, %dma_start3A_228] : memref<2048x128xf32, #tpu.memory_space<vmem_shared>> -> memref<128x128xf32, #tpu.memory_space<vmem_shared>>
      tpu.enqueue_dma source(%arg8 : memref<128x128xf32, #tpu.memory_space<vmem>>) target(%dma_start3A_229 : memref<128x128xf32, #tpu.memory_space<vmem_shared>>) target_semaphore(%run_scoped3A : memref<!tpu.dma_semaphore, #tpu.memory_space<semaphore_mem>>)
      %dma_wait3A_230 = arith.constant 0 : i32
      %dma_wait3A_231 = tpu.memref_slice %arg11[%mul3A_4, %dma_wait3A_230] : memref<2048x128xf32, #tpu.memory_space<vmem_shared>> -> memref<128x128xf32, #tpu.memory_space<vmem_shared>>
      %dma_wait3A_232 = arith.constant 0 : i32
      %dma_wait3A_233 = tpu.memref_slice %arg11[%mul3A_4, %dma_wait3A_232] : memref<2048x128xf32, #tpu.memory_space<vmem_shared>> -> memref<128x128xf32, #tpu.memory_space<vmem_shared>>
      tpu.wait_dma2 semaphore(%run_scoped3A : memref<!tpu.dma_semaphore, #tpu.memory_space<semaphore_mem>>) src(%arg8 : memref<128x128xf32, #tpu.memory_space<vmem>>) dst(%dma_wait3A_233 : memref<128x128xf32, #tpu.memory_space<vmem_shared>>)
      tpu.yield
    }) : () -> ()
    "tpu.region"() ({
      %run_scoped3A = tpu.sem_alloc : memref<!tpu.dma_semaphore, #tpu.memory_space<semaphore_mem>>
      %dma_start3A_226 = arith.constant 0 : i32
      %dma_start3A_227 = arith.constant 0 : i32
      %dma_start3A_228 = tpu.memref_slice %arg2[%add3A, %dma_start3A_226, %dma_start3A_227] : memref<32x32x128xi32, #tpu.memory_space<hbm>> -> memref<1x32x128xi32, #tpu.memory_space<hbm>>
      %dma_start3A_229 = tpu.memref_squeeze %dma_start3A_228 : memref<1x32x128xi32, #tpu.memory_space<hbm>> -> memref<32x128xi32, #tpu.memory_space<hbm>>
      %dma_start3A_230 = arith.constant 0 : i32
      %dma_start3A_231 = arith.constant 0 : i32
      %dma_start3A_232 = tpu.memref_slice %arg2[%add3A, %dma_start3A_230, %dma_start3A_231] : memref<32x32x128xi32, #tpu.memory_space<hbm>> -> memref<1x32x128xi32, #tpu.memory_space<hbm>>
      %dma_start3A_233 = tpu.memref_squeeze %dma_start3A_232 : memref<1x32x128xi32, #tpu.memory_space<hbm>> -> memref<32x128xi32, #tpu.memory_space<hbm>>
      tpu.enqueue_dma source(%dma_start3A_233 : memref<32x128xi32, #tpu.memory_space<hbm>>) target(%arg6 : memref<32x128xi32, #tpu.memory_space<vmem>>) target_semaphore(%run_scoped3A : memref<!tpu.dma_semaphore, #tpu.memory_space<semaphore_mem>>)
      %dma_wait3A_234 = arith.constant 0 : i32
      %dma_wait3A_235 = arith.constant 0 : i32
      %dma_wait3A_236 = tpu.memref_slice %arg2[%add3A, %dma_wait3A_234, %dma_wait3A_235] : memref<32x32x128xi32, #tpu.memory_space<hbm>> -> memref<1x32x128xi32, #tpu.memory_space<hbm>>
      %dma_wait3A_237 = tpu.memref_squeeze %dma_wait3A_236 : memref<1x32x128xi32, #tpu.memory_space<hbm>> -> memref<32x128xi32, #tpu.memory_space<hbm>>
      %dma_wait3A_238 = arith.constant 0 : i32
      %dma_wait3A_239 = arith.constant 0 : i32
      %dma_wait3A_240 = tpu.memref_slice %arg2[%add3A, %dma_wait3A_238, %dma_wait3A_239] : memref<32x32x128xi32, #tpu.memory_space<hbm>> -> memref<1x32x128xi32, #tpu.memory_space<hbm>>
      %dma_wait3A_241 = tpu.memref_squeeze %dma_wait3A_240 : memref<1x32x128xi32, #tpu.memory_space<hbm>> -> memref<32x128xi32, #tpu.memory_space<hbm>>
      tpu.wait_dma2 semaphore(%run_scoped3A : memref<!tpu.dma_semaphore, #tpu.memory_space<semaphore_mem>>) src(%dma_wait3A_241 : memref<32x128xi32, #tpu.memory_space<hbm>>) dst(%arg6 : memref<32x128xi32, #tpu.memory_space<vmem>>)
      tpu.yield
    }) : () -> ()
    %scan3A = arith.constant 0 : i32
    %scan3A_5 = arith.constant 0 : i32
    %scan3A_6 = arith.constant 128 : i32
    %scan3A_7 = arith.addi %scan3A_5, %scan3A_6 : i32
    %scan3A_8 = arith.constant 1 : i32
    %scan3A_9 = scf.for %scan3A_226 = %scan3A_5 to %scan3A_7 step %scan3A_8 iter_args(%scan3A_227 = %scan3A) -> (i32)  : i32 {
      %iota3A = tpu.iota {dimensions = array<i32: 0>} : vector<16xi32>
      %mul3A_228 = arith.constant 16 : i32
      %mul3A_229 = arith.muli %scan3A_226, %mul3A_228 : i32
      %add3A_230 = vector.broadcast %mul3A_229 : i32 to vector<16xi32>
      %add3A_231 = arith.addi %iota3A, %add3A_230 : vector<16xi32>
      %mul3A_232 = arith.constant 16 : i32
      %mul3A_233 = arith.muli %scan3A_226, %mul3A_232 : i32
      %swap3A = arith.index_cast %mul3A_233 : i32 to index
      %swap3A_234 = tpu.vector_load %arg7[%swap3A] {strides = array<i32>} : memref<2048xi32, #tpu.memory_space<vmem>>, vector<16xi32>,
      %swap3A_235 = vector.shape_cast %swap3A_234 : vector<16xi32> to vector<16xi32>
      %swap3A_236 = vector.shape_cast %add3A_231 : vector<16xi32> to vector<16xi32>
      tpu.vector_store %arg7[%swap3A], %swap3A_236 {strides = array<i32>} : memref<2048xi32, #tpu.memory_space<vmem>>, vector<16xi32>,
      %scan3A_237 = arith.constant 0 : i32
      scf.yield %scan3A_237 : i32
    }
    %scan3A_10 = arith.constant 128 : i32
    %barrier3A = arith.constant 0 : index
    tpu.barrier barrier_id(%barrier3A)
    %dma_start3A = arith.constant 0 : i32
    %dma_start3A_11 = arith.constant 0 : i32
    %dma_start3A_12 = tpu.memref_slice %arg6[%dma_start3A, %dma_start3A_11] : memref<32x128xi32, #tpu.memory_space<vmem>> -> memref<1x128xi32, #tpu.memory_space<vmem>>
    %dma_start3A_13 = tpu.memref_squeeze %dma_start3A_12 : memref<1x128xi32, #tpu.memory_space<vmem>> -> memref<128xi32, #tpu.memory_space<vmem>>
    %dma_start3A_14 = arith.constant 0 : i32
    %dma_start3A_15 = arith.constant 0 : i32
    %dma_start3A_16 = tpu.memref_slice %arg3[%dma_start3A_14, %dma_start3A_15] : memref<100000x128xf32, #tpu.memory_space<hbm>> -> memref<100000x128xf32, #tpu.memory_space<hbm>>
    tpu.enqueue_indirect_dma source(%dma_start3A_16 : memref<100000x128xf32, #tpu.memory_space<hbm>>) target(%arg8 : memref<128x128xf32, #tpu.memory_space<vmem>>) offsets(%dma_start3A_13 : memref<128xi32, #tpu.memory_space<vmem>>) semaphore(%arg12 : memref<!tpu.dma_semaphore, #tpu.memory_space<semaphore_mem>>)
    %dma_start3A_17 = arith.constant 1 : i32
    %dma_start3A_18 = arith.constant 0 : i32
    %dma_start3A_19 = tpu.memref_slice %arg6[%dma_start3A_17, %dma_start3A_18] : memref<32x128xi32, #tpu.memory_space<vmem>> -> memref<1x128xi32, #tpu.memory_space<vmem>>
    %dma_start3A_20 = tpu.memref_squeeze %dma_start3A_19 : memref<1x128xi32, #tpu.memory_space<vmem>> -> memref<128xi32, #tpu.memory_space<vmem>>
    %dma_start3A_21 = arith.constant 0 : i32
    %dma_start3A_22 = arith.constant 0 : i32
    %dma_start3A_23 = tpu.memref_slice %arg3[%dma_start3A_21, %dma_start3A_22] : memref<100000x128xf32, #tpu.memory_space<hbm>> -> memref<100000x128xf32, #tpu.memory_space<hbm>>
    tpu.enqueue_indirect_dma source(%dma_start3A_23 : memref<100000x128xf32, #tpu.memory_space<hbm>>) target(%arg9 : memref<128x128xf32, #tpu.memory_space<vmem>>) offsets(%dma_start3A_20 : memref<128xi32, #tpu.memory_space<vmem>>) semaphore(%arg13 : memref<!tpu.dma_semaphore, #tpu.memory_space<semaphore_mem>>)
    %dma_wait3A = arith.constant 0 : i32
    %dma_wait3A_24 = arith.constant 0 : i32
    %dma_wait3A_25 = tpu.memref_slice %arg6[%dma_wait3A, %dma_wait3A_24] : memref<32x128xi32, #tpu.memory_space<vmem>> -> memref<1x128xi32, #tpu.memory_space<vmem>>
    %dma_wait3A_26 = tpu.memref_squeeze %dma_wait3A_25 : memref<1x128xi32, #tpu.memory_space<vmem>> -> memref<128xi32, #tpu.memory_space<vmem>>
    %dma_wait3A_27 = arith.constant 0 : i32
    %dma_wait3A_28 = arith.constant 0 : i32
    %dma_wait3A_29 = tpu.memref_slice %arg3[%dma_wait3A_27, %dma_wait3A_28] : memref<100000x128xf32, #tpu.memory_space<hbm>> -> memref<100000x128xf32, #tpu.memory_space<hbm>>
    tpu.wait_indirect_dma semaphore(%arg12 : memref<!tpu.dma_semaphore, #tpu.memory_space<semaphore_mem>>) src(%dma_wait3A_29 : memref<100000x128xf32, #tpu.memory_space<hbm>>) dst(%arg8 : memref<128x128xf32, #tpu.memory_space<vmem>>)
    %dma_start3A_30 = arith.constant 0 : i32
    %dma_start3A_31 = tpu.memref_slice %arg7[%dma_start3A_30] : memref<2048xi32, #tpu.memory_space<vmem>> -> memref<128xi32, #tpu.memory_space<vmem>>
    %dma_start3A_32 = arith.constant 0 : i32
    %dma_start3A_33 = arith.constant 0 : i32
    %dma_start3A_34 = tpu.memref_slice %arg11[%dma_start3A_32, %dma_start3A_33] : memref<2048x128xf32, #tpu.memory_space<vmem_shared>> -> memref<2048x128xf32, #tpu.memory_space<vmem_shared>>
    tpu.enqueue_indirect_dma source(%dma_start3A_34 : memref<2048x128xf32, #tpu.memory_space<vmem_shared>>) target(%arg8 : memref<128x128xf32, #tpu.memory_space<vmem>>) offsets(%dma_start3A_31 : memref<128xi32, #tpu.memory_space<vmem>>) semaphore(%arg15 : memref<!tpu.dma_semaphore, #tpu.memory_space<semaphore_mem>>) {add = true}
    %dma_start3A_35 = arith.constant 2 : i32
    %dma_start3A_36 = arith.constant 0 : i32
    %dma_start3A_37 = tpu.memref_slice %arg6[%dma_start3A_35, %dma_start3A_36] : memref<32x128xi32, #tpu.memory_space<vmem>> -> memref<1x128xi32, #tpu.memory_space<vmem>>
    %dma_start3A_38 = tpu.memref_squeeze %dma_start3A_37 : memref<1x128xi32, #tpu.memory_space<vmem>> -> memref<128xi32, #tpu.memory_space<vmem>>
    %dma_start3A_39 = arith.constant 0 : i32
    %dma_start3A_40 = arith.constant 0 : i32
    %dma_start3A_41 = tpu.memref_slice %arg3[%dma_start3A_39, %dma_start3A_40] : memref<100000x128xf32, #tpu.memory_space<hbm>> -> memref<100000x128xf32, #tpu.memory_space<hbm>>
    tpu.enqueue_indirect_dma source(%dma_start3A_41 : memref<100000x128xf32, #tpu.memory_space<hbm>>) target(%arg10 : memref<128x128xf32, #tpu.memory_space<vmem>>) offsets(%dma_start3A_38 : memref<128xi32, #tpu.memory_space<vmem>>) semaphore(%arg14 : memref<!tpu.dma_semaphore, #tpu.memory_space<semaphore_mem>>)
    %dma_wait3A_42 = arith.constant 1 : i32
    %dma_wait3A_43 = arith.constant 0 : i32
    %dma_wait3A_44 = tpu.memref_slice %arg6[%dma_wait3A_42, %dma_wait3A_43] : memref<32x128xi32, #tpu.memory_space<vmem>> -> memref<1x128xi32, #tpu.memory_space<vmem>>
    %dma_wait3A_45 = tpu.memref_squeeze %dma_wait3A_44 : memref<1x128xi32, #tpu.memory_space<vmem>> -> memref<128xi32, #tpu.memory_space<vmem>>
    %dma_wait3A_46 = arith.constant 0 : i32
    %dma_wait3A_47 = arith.constant 0 : i32
    %dma_wait3A_48 = tpu.memref_slice %arg3[%dma_wait3A_46, %dma_wait3A_47] : memref<100000x128xf32, #tpu.memory_space<hbm>> -> memref<100000x128xf32, #tpu.memory_space<hbm>>
    tpu.wait_indirect_dma semaphore(%arg13 : memref<!tpu.dma_semaphore, #tpu.memory_space<semaphore_mem>>) src(%dma_wait3A_48 : memref<100000x128xf32, #tpu.memory_space<hbm>>) dst(%arg9 : memref<128x128xf32, #tpu.memory_space<vmem>>)
    %dma_start3A_49 = arith.constant 128 : i32
    %dma_start3A_50 = tpu.memref_slice %arg7[%dma_start3A_49] : memref<2048xi32, #tpu.memory_space<vmem>> -> memref<128xi32, #tpu.memory_space<vmem>>
    %dma_start3A_51 = arith.constant 0 : i32
    %dma_start3A_52 = arith.constant 0 : i32
    %dma_start3A_53 = tpu.memref_slice %arg11[%dma_start3A_51, %dma_start3A_52] : memref<2048x128xf32, #tpu.memory_space<vmem_shared>> -> memref<2048x128xf32, #tpu.memory_space<vmem_shared>>
    tpu.enqueue_indirect_dma source(%dma_start3A_53 : memref<2048x128xf32, #tpu.memory_space<vmem_shared>>) target(%arg9 : memref<128x128xf32, #tpu.memory_space<vmem>>) offsets(%dma_start3A_50 : memref<128xi32, #tpu.memory_space<vmem>>) semaphore(%arg16 : memref<!tpu.dma_semaphore, #tpu.memory_space<semaphore_mem>>) {add = true}
    %dma_wait3A_54 = arith.constant 0 : i32
    %dma_wait3A_55 = tpu.memref_slice %arg7[%dma_wait3A_54] : memref<2048xi32, #tpu.memory_space<vmem>> -> memref<128xi32, #tpu.memory_space<vmem>>
    %dma_wait3A_56 = arith.constant 0 : i32
    %dma_wait3A_57 = arith.constant 0 : i32
    %dma_wait3A_58 = tpu.memref_slice %arg11[%dma_wait3A_56, %dma_wait3A_57] : memref<2048x128xf32, #tpu.memory_space<vmem_shared>> -> memref<2048x128xf32, #tpu.memory_space<vmem_shared>>
    tpu.wait_indirect_dma semaphore(%arg15 : memref<!tpu.dma_semaphore, #tpu.memory_space<semaphore_mem>>) src(%dma_wait3A_58 : memref<2048x128xf32, #tpu.memory_space<vmem_shared>>) dst(%arg8 : memref<128x128xf32, #tpu.memory_space<vmem>>)
    %dma_start3A_59 = arith.constant 0 : i32
    %dma_start3A_60 = arith.constant 0 : i32
    %dma_start3A_61 = arith.constant 0 : i32
    %dma_start3A_62 = tpu.memref_slice %arg5[%add3A, %dma_start3A_59, %dma_start3A_60, %dma_start3A_61] : memref<32x32x128x128xf32, #tpu.memory_space<hbm>> -> memref<1x1x128x128xf32, #tpu.memory_space<hbm>>
    %dma_start3A_63 = tpu.memref_squeeze %dma_start3A_62 : memref<1x1x128x128xf32, #tpu.memory_space<hbm>> -> memref<128x128xf32, #tpu.memory_space<hbm>>
    %dma_start3A_64 = arith.constant 0 : i32
    %dma_start3A_65 = arith.constant 0 : i32
    %dma_start3A_66 = tpu.memref_slice %arg5[%add3A, %dma_start3A_59, %dma_start3A_64, %dma_start3A_65] : memref<32x32x128x128xf32, #tpu.memory_space<hbm>> -> memref<1x1x128x128xf32, #tpu.memory_space<hbm>>
    %dma_start3A_67 = tpu.memref_squeeze %dma_start3A_66 : memref<1x1x128x128xf32, #tpu.memory_space<hbm>> -> memref<128x128xf32, #tpu.memory_space<hbm>>
    tpu.enqueue_dma source(%arg8 : memref<128x128xf32, #tpu.memory_space<vmem>>) target(%dma_start3A_67 : memref<128x128xf32, #tpu.memory_space<hbm>>) target_semaphore(%arg18 : memref<!tpu.dma_semaphore, #tpu.memory_space<semaphore_mem>>)
    %dma_wait3A_68 = arith.constant 0 : i32
    %dma_wait3A_69 = arith.constant 0 : i32
    %dma_wait3A_70 = arith.constant 0 : i32
    %dma_wait3A_71 = tpu.memref_slice %arg5[%add3A, %dma_wait3A_68, %dma_wait3A_69, %dma_wait3A_70] : memref<32x32x128x128xf32, #tpu.memory_space<hbm>> -> memref<1x1x128x128xf32, #tpu.memory_space<hbm>>
    %dma_wait3A_72 = tpu.memref_squeeze %dma_wait3A_71 : memref<1x1x128x128xf32, #tpu.memory_space<hbm>> -> memref<128x128xf32, #tpu.memory_space<hbm>>
    %dma_wait3A_73 = arith.constant 0 : i32
    %dma_wait3A_74 = arith.constant 0 : i32
    %dma_wait3A_75 = tpu.memref_slice %arg5[%add3A, %dma_wait3A_68, %dma_wait3A_73, %dma_wait3A_74] : memref<32x32x128x128xf32, #tpu.memory_space<hbm>> -> memref<1x1x128x128xf32, #tpu.memory_space<hbm>>
    %dma_wait3A_76 = tpu.memref_squeeze %dma_wait3A_75 : memref<1x1x128x128xf32, #tpu.memory_space<hbm>> -> memref<128x128xf32, #tpu.memory_space<hbm>>
    tpu.wait_dma2 semaphore(%arg18 : memref<!tpu.dma_semaphore, #tpu.memory_space<semaphore_mem>>) src(%arg8 : memref<128x128xf32, #tpu.memory_space<vmem>>) dst(%dma_wait3A_76 : memref<128x128xf32, #tpu.memory_space<hbm>>)
    %dma_start3A_77 = arith.constant 3 : i32
    %dma_start3A_78 = arith.constant 0 : i32
    %dma_start3A_79 = tpu.memref_slice %arg6[%dma_start3A_77, %dma_start3A_78] : memref<32x128xi32, #tpu.memory_space<vmem>> -> memref<1x128xi32, #tpu.memory_space<vmem>>
    %dma_start3A_80 = tpu.memref_squeeze %dma_start3A_79 : memref<1x128xi32, #tpu.memory_space<vmem>> -> memref<128xi32, #tpu.memory_space<vmem>>
    %dma_start3A_81 = arith.constant 0 : i32
    %dma_start3A_82 = arith.constant 0 : i32
    %dma_start3A_83 = tpu.memref_slice %arg3[%dma_start3A_81, %dma_start3A_82] : memref<100000x128xf32, #tpu.memory_space<hbm>> -> memref<100000x128xf32, #tpu.memory_space<hbm>>
    tpu.enqueue_indirect_dma source(%dma_start3A_83 : memref<100000x128xf32, #tpu.memory_space<hbm>>) target(%arg8 : memref<128x128xf32, #tpu.memory_space<vmem>>) offsets(%dma_start3A_80 : memref<128xi32, #tpu.memory_space<vmem>>) semaphore(%arg12 : memref<!tpu.dma_semaphore, #tpu.memory_space<semaphore_mem>>)
    %dma_wait3A_84 = arith.constant 2 : i32
    %dma_wait3A_85 = arith.constant 0 : i32
    %dma_wait3A_86 = tpu.memref_slice %arg6[%dma_wait3A_84, %dma_wait3A_85] : memref<32x128xi32, #tpu.memory_space<vmem>> -> memref<1x128xi32, #tpu.memory_space<vmem>>
    %dma_wait3A_87 = tpu.memref_squeeze %dma_wait3A_86 : memref<1x128xi32, #tpu.memory_space<vmem>> -> memref<128xi32, #tpu.memory_space<vmem>>
    %dma_wait3A_88 = arith.constant 0 : i32
    %dma_wait3A_89 = arith.constant 0 : i32
    %dma_wait3A_90 = tpu.memref_slice %arg3[%dma_wait3A_88, %dma_wait3A_89] : memref<100000x128xf32, #tpu.memory_space<hbm>> -> memref<100000x128xf32, #tpu.memory_space<hbm>>
    tpu.wait_indirect_dma semaphore(%arg14 : memref<!tpu.dma_semaphore, #tpu.memory_space<semaphore_mem>>) src(%dma_wait3A_90 : memref<100000x128xf32, #tpu.memory_space<hbm>>) dst(%arg10 : memref<128x128xf32, #tpu.memory_space<vmem>>)
    %dma_start3A_91 = arith.constant 256 : i32
    %dma_start3A_92 = tpu.memref_slice %arg7[%dma_start3A_91] : memref<2048xi32, #tpu.memory_space<vmem>> -> memref<128xi32, #tpu.memory_space<vmem>>
    %dma_start3A_93 = arith.constant 0 : i32
    %dma_start3A_94 = arith.constant 0 : i32
    %dma_start3A_95 = tpu.memref_slice %arg11[%dma_start3A_93, %dma_start3A_94] : memref<2048x128xf32, #tpu.memory_space<vmem_shared>> -> memref<2048x128xf32, #tpu.memory_space<vmem_shared>>
    tpu.enqueue_indirect_dma source(%dma_start3A_95 : memref<2048x128xf32, #tpu.memory_space<vmem_shared>>) target(%arg10 : memref<128x128xf32, #tpu.memory_space<vmem>>) offsets(%dma_start3A_92 : memref<128xi32, #tpu.memory_space<vmem>>) semaphore(%arg17 : memref<!tpu.dma_semaphore, #tpu.memory_space<semaphore_mem>>) {add = true}
    %dma_wait3A_96 = arith.constant 128 : i32
    %dma_wait3A_97 = tpu.memref_slice %arg7[%dma_wait3A_96] : memref<2048xi32, #tpu.memory_space<vmem>> -> memref<128xi32, #tpu.memory_space<vmem>>
    %dma_wait3A_98 = arith.constant 0 : i32
    %dma_wait3A_99 = arith.constant 0 : i32
    %dma_wait3A_100 = tpu.memref_slice %arg11[%dma_wait3A_98, %dma_wait3A_99] : memref<2048x128xf32, #tpu.memory_space<vmem_shared>> -> memref<2048x128xf32, #tpu.memory_space<vmem_shared>>
    tpu.wait_indirect_dma semaphore(%arg16 : memref<!tpu.dma_semaphore, #tpu.memory_space<semaphore_mem>>) src(%dma_wait3A_100 : memref<2048x128xf32, #tpu.memory_space<vmem_shared>>) dst(%arg9 : memref<128x128xf32, #tpu.memory_space<vmem>>)
    %dma_start3A_101 = arith.constant 1 : i32
    %dma_start3A_102 = arith.constant 0 : i32
    %dma_start3A_103 = arith.constant 0 : i32
    %dma_start3A_104 = tpu.memref_slice %arg5[%add3A, %dma_start3A_101, %dma_start3A_102, %dma_start3A_103] : memref<32x32x128x128xf32, #tpu.memory_space<hbm>> -> memref<1x1x128x128xf32, #tpu.memory_space<hbm>>
    %dma_start3A_105 = tpu.memref_squeeze %dma_start3A_104 : memref<1x1x128x128xf32, #tpu.memory_space<hbm>> -> memref<128x128xf32, #tpu.memory_space<hbm>>
    %dma_start3A_106 = arith.constant 0 : i32
    %dma_start3A_107 = arith.constant 0 : i32
    %dma_start3A_108 = tpu.memref_slice %arg5[%add3A, %dma_start3A_101, %dma_start3A_106, %dma_start3A_107] : memref<32x32x128x128xf32, #tpu.memory_space<hbm>> -> memref<1x1x128x128xf32, #tpu.memory_space<hbm>>
    %dma_start3A_109 = tpu.memref_squeeze %dma_start3A_108 : memref<1x1x128x128xf32, #tpu.memory_space<hbm>> -> memref<128x128xf32, #tpu.memory_space<hbm>>
    tpu.enqueue_dma source(%arg9 : memref<128x128xf32, #tpu.memory_space<vmem>>) target(%dma_start3A_109 : memref<128x128xf32, #tpu.memory_space<hbm>>) target_semaphore(%arg19 : memref<!tpu.dma_semaphore, #tpu.memory_space<semaphore_mem>>)
    %scan3A_110 = arith.constant 0 : i32
    %scan3A_111 = arith.constant 1 : i32
    %scan3A_112 = arith.constant 9 : i32
    %scan3A_113 = arith.addi %scan3A_111, %scan3A_112 : i32
    %scan3A_114 = arith.constant 1 : i32
    %scan3A_115 = scf.for %scan3A_226 = %scan3A_111 to %scan3A_113 step %scan3A_114 iter_args(%scan3A_227 = %scan3A_110) -> (i32)  : i32 {
      %mul3A_228 = arith.constant 3 : i32
      %mul3A_229 = arith.muli %scan3A_226, %mul3A_228 : i32
      %add3A_230 = arith.constant 0 : i32
      %add3A_231 = arith.addi %mul3A_229, %add3A_230 : i32
      %sub3A = arith.constant 2 : i32
      %sub3A_232 = arith.subi %add3A_231, %sub3A : i32
      %dma_wait3A_233 = arith.constant 0 : i32
      %dma_wait3A_234 = arith.constant 0 : i32
      %dma_wait3A_235 = tpu.memref_slice %arg5[%add3A, %sub3A_232, %dma_wait3A_233, %dma_wait3A_234] : memref<32x32x128x128xf32, #tpu.memory_space<hbm>> -> memref<1x1x128x128xf32, #tpu.memory_space<hbm>>
      %dma_wait3A_236 = tpu.memref_squeeze %dma_wait3A_235 : memref<1x1x128x128xf32, #tpu.memory_space<hbm>> -> memref<128x128xf32, #tpu.memory_space<hbm>>
      %dma_wait3A_237 = arith.constant 0 : i32
      %dma_wait3A_238 = arith.constant 0 : i32
      %dma_wait3A_239 = tpu.memref_slice %arg5[%add3A, %sub3A_232, %dma_wait3A_237, %dma_wait3A_238] : memref<32x32x128x128xf32, #tpu.memory_space<hbm>> -> memref<1x1x128x128xf32, #tpu.memory_space<hbm>>
      %dma_wait3A_240 = tpu.memref_squeeze %dma_wait3A_239 : memref<1x1x128x128xf32, #tpu.memory_space<hbm>> -> memref<128x128xf32, #tpu.memory_space<hbm>>
      tpu.wait_dma2 semaphore(%arg19 : memref<!tpu.dma_semaphore, #tpu.memory_space<semaphore_mem>>) src(%arg9 : memref<128x128xf32, #tpu.memory_space<vmem>>) dst(%dma_wait3A_240 : memref<128x128xf32, #tpu.memory_space<hbm>>)
      %add3A_241 = arith.constant 1 : i32
      %add3A_242 = arith.addi %add3A_231, %add3A_241 : i32
      %dma_start3A_243 = arith.constant 0 : i32
      %dma_start3A_244 = tpu.memref_slice %arg6[%add3A_242, %dma_start3A_243] : memref<32x128xi32, #tpu.memory_space<vmem>> -> memref<1x128xi32, #tpu.memory_space<vmem>>
      %dma_start3A_245 = tpu.memref_squeeze %dma_start3A_244 : memref<1x128xi32, #tpu.memory_space<vmem>> -> memref<128xi32, #tpu.memory_space<vmem>>
      %dma_start3A_246 = arith.constant 0 : i32
      %dma_start3A_247 = arith.constant 0 : i32
      %dma_start3A_248 = tpu.memref_slice %arg3[%dma_start3A_246, %dma_start3A_247] : memref<100000x128xf32, #tpu.memory_space<hbm>> -> memref<100000x128xf32, #tpu.memory_space<hbm>>
      tpu.enqueue_indirect_dma source(%dma_start3A_248 : memref<100000x128xf32, #tpu.memory_space<hbm>>) target(%arg9 : memref<128x128xf32, #tpu.memory_space<vmem>>) offsets(%dma_start3A_245 : memref<128xi32, #tpu.memory_space<vmem>>) semaphore(%arg13 : memref<!tpu.dma_semaphore, #tpu.memory_space<semaphore_mem>>)
      %dma_wait3A_249 = arith.constant 0 : i32
      %dma_wait3A_250 = tpu.memref_slice %arg6[%add3A_231, %dma_wait3A_249] : memref<32x128xi32, #tpu.memory_space<vmem>> -> memref<1x128xi32, #tpu.memory_space<vmem>>
      %dma_wait3A_251 = tpu.memref_squeeze %dma_wait3A_250 : memref<1x128xi32, #tpu.memory_space<vmem>> -> memref<128xi32, #tpu.memory_space<vmem>>
      %dma_wait3A_252 = arith.constant 0 : i32
      %dma_wait3A_253 = arith.constant 0 : i32
      %dma_wait3A_254 = tpu.memref_slice %arg3[%dma_wait3A_252, %dma_wait3A_253] : memref<100000x128xf32, #tpu.memory_space<hbm>> -> memref<100000x128xf32, #tpu.memory_space<hbm>>
      tpu.wait_indirect_dma semaphore(%arg12 : memref<!tpu.dma_semaphore, #tpu.memory_space<semaphore_mem>>) src(%dma_wait3A_254 : memref<100000x128xf32, #tpu.memory_space<hbm>>) dst(%arg8 : memref<128x128xf32, #tpu.memory_space<vmem>>)
      %jit3A = arith.constant 16 : i32
      %eq3A = arith.constant 0 : i32
      %eq3A_255 = arith.cmpi eq, %jit3A, %eq3A : i32
      %jit3A_256 = arith.constant 1 : i32
      %select_n3A = arith.select %eq3A_255, %jit3A_256, %jit3A : i32
      %rem3A = arith.remsi %add3A_231, %select_n3A : i32
      %ne3A = arith.constant 0 : i32
      %ne3A_257 = arith.cmpi ne, %rem3A, %ne3A : i32
      %lt3A = arith.constant 0 : i32
      %lt3A_258 = arith.cmpi slt, %rem3A, %lt3A : i32
      %lt3A_259 = arith.constant 0 : i32
      %lt3A_260 = arith.cmpi slt, %select_n3A, %lt3A_259 : i32
      %ne3A_261 = arith.xori %lt3A_258, %lt3A_260 : i1
      %and3A = arith.andi %ne3A_261, %ne3A_257 : i1
      %add3A_262 = arith.addi %rem3A, %select_n3A : i32
      %select_n3A_263 = arith.select %and3A, %add3A_262, %rem3A : i32
      %mul3A_264 = arith.constant 128 : i32
      %mul3A_265 = arith.muli %select_n3A_263, %mul3A_264 : i32
      %dma_start3A_266 = tpu.memref_slice %arg7[%mul3A_265] : memref<2048xi32, #tpu.memory_space<vmem>> -> memref<128xi32, #tpu.memory_space<vmem>>
      %dma_start3A_267 = arith.constant 0 : i32
      %dma_start3A_268 = arith.constant 0 : i32
      %dma_start3A_269 = tpu.memref_slice %arg11[%dma_start3A_267, %dma_start3A_268] : memref<2048x128xf32, #tpu.memory_space<vmem_shared>> -> memref<2048x128xf32, #tpu.memory_space<vmem_shared>>
      tpu.enqueue_indirect_dma source(%dma_start3A_269 : memref<2048x128xf32, #tpu.memory_space<vmem_shared>>) target(%arg8 : memref<128x128xf32, #tpu.memory_space<vmem>>) offsets(%dma_start3A_266 : memref<128xi32, #tpu.memory_space<vmem>>) semaphore(%arg15 : memref<!tpu.dma_semaphore, #tpu.memory_space<semaphore_mem>>) {add = true}
      %sub3A_270 = arith.constant 1 : i32
      %sub3A_271 = arith.subi %add3A_231, %sub3A_270 : i32
      %jit3A_272 = arith.constant 16 : i32
      %eq3A_273 = arith.constant 0 : i32
      %eq3A_274 = arith.cmpi eq, %jit3A_272, %eq3A_273 : i32
      %jit3A_275 = arith.constant 1 : i32
      %select_n3A_276 = arith.select %eq3A_274, %jit3A_275, %jit3A_272 : i32
      %rem3A_277 = arith.remsi %sub3A_271, %select_n3A_276 : i32
      %ne3A_278 = arith.constant 0 : i32
      %ne3A_279 = arith.cmpi ne, %rem3A_277, %ne3A_278 : i32
      %lt3A_280 = arith.constant 0 : i32
      %lt3A_281 = arith.cmpi slt, %rem3A_277, %lt3A_280 : i32
      %lt3A_282 = arith.constant 0 : i32
      %lt3A_283 = arith.cmpi slt, %select_n3A_276, %lt3A_282 : i32
      %ne3A_284 = arith.xori %lt3A_281, %lt3A_283 : i1
      %and3A_285 = arith.andi %ne3A_284, %ne3A_279 : i1
      %add3A_286 = arith.addi %rem3A_277, %select_n3A_276 : i32
      %select_n3A_287 = arith.select %and3A_285, %add3A_286, %rem3A_277 : i32
      %mul3A_288 = arith.constant 128 : i32
      %mul3A_289 = arith.muli %select_n3A_287, %mul3A_288 : i32
      %dma_wait3A_290 = tpu.memref_slice %arg7[%mul3A_289] : memref<2048xi32, #tpu.memory_space<vmem>> -> memref<128xi32, #tpu.memory_space<vmem>>
      %dma_wait3A_291 = arith.constant 0 : i32
      %dma_wait3A_292 = arith.constant 0 : i32
      %dma_wait3A_293 = tpu.memref_slice %arg11[%dma_wait3A_291, %dma_wait3A_292] : memref<2048x128xf32, #tpu.memory_space<vmem_shared>> -> memref<2048x128xf32, #tpu.memory_space<vmem_shared>>
      tpu.wait_indirect_dma semaphore(%arg17 : memref<!tpu.dma_semaphore, #tpu.memory_space<semaphore_mem>>) src(%dma_wait3A_293 : memref<2048x128xf32, #tpu.memory_space<vmem_shared>>) dst(%arg10 : memref<128x128xf32, #tpu.memory_space<vmem>>)
      %sub3A_294 = arith.constant 1 : i32
      %sub3A_295 = arith.subi %add3A_231, %sub3A_294 : i32
      %dma_start3A_296 = arith.constant 0 : i32
      %dma_start3A_297 = arith.constant 0 : i32
      %dma_start3A_298 = tpu.memref_slice %arg5[%add3A, %sub3A_295, %dma_start3A_296, %dma_start3A_297] : memref<32x32x128x128xf32, #tpu.memory_space<hbm>> -> memref<1x1x128x128xf32, #tpu.memory_space<hbm>>
      %dma_start3A_299 = tpu.memref_squeeze %dma_start3A_298 : memref<1x1x128x128xf32, #tpu.memory_space<hbm>> -> memref<128x128xf32, #tpu.memory_space<hbm>>
      %dma_start3A_300 = arith.constant 0 : i32
      %dma_start3A_301 = arith.constant 0 : i32
      %dma_start3A_302 = tpu.memref_slice %arg5[%add3A, %sub3A_295, %dma_start3A_300, %dma_start3A_301] : memref<32x32x128x128xf32, #tpu.memory_space<hbm>> -> memref<1x1x128x128xf32, #tpu.memory_space<hbm>>
      %dma_start3A_303 = tpu.memref_squeeze %dma_start3A_302 : memref<1x1x128x128xf32, #tpu.memory_space<hbm>> -> memref<128x128xf32, #tpu.memory_space<hbm>>
      tpu.enqueue_dma source(%arg10 : memref<128x128xf32, #tpu.memory_space<vmem>>) target(%dma_start3A_303 : memref<128x128xf32, #tpu.memory_space<hbm>>) target_semaphore(%arg20 : memref<!tpu.dma_semaphore, #tpu.memory_space<semaphore_mem>>)
      %mul3A_304 = arith.constant 3 : i32
      %mul3A_305 = arith.muli %scan3A_226, %mul3A_304 : i32
      %add3A_306 = arith.constant 1 : i32
      %add3A_307 = arith.addi %mul3A_305, %add3A_306 : i32
      %sub3A_308 = arith.constant 2 : i32
      %sub3A_309 = arith.subi %add3A_307, %sub3A_308 : i32
      %dma_wait3A_310 = arith.constant 0 : i32
      %dma_wait3A_311 = arith.constant 0 : i32
      %dma_wait3A_312 = tpu.memref_slice %arg5[%add3A, %sub3A_309, %dma_wait3A_310, %dma_wait3A_311] : memref<32x32x128x128xf32, #tpu.memory_space<hbm>> -> memref<1x1x128x128xf32, #tpu.memory_space<hbm>>
      %dma_wait3A_313 = tpu.memref_squeeze %dma_wait3A_312 : memref<1x1x128x128xf32, #tpu.memory_space<hbm>> -> memref<128x128xf32, #tpu.memory_space<hbm>>
      %dma_wait3A_314 = arith.constant 0 : i32
      %dma_wait3A_315 = arith.constant 0 : i32
      %dma_wait3A_316 = tpu.memref_slice %arg5[%add3A, %sub3A_309, %dma_wait3A_314, %dma_wait3A_315] : memref<32x32x128x128xf32, #tpu.memory_space<hbm>> -> memref<1x1x128x128xf32, #tpu.memory_space<hbm>>
      %dma_wait3A_317 = tpu.memref_squeeze %dma_wait3A_316 : memref<1x1x128x128xf32, #tpu.memory_space<hbm>> -> memref<128x128xf32, #tpu.memory_space<hbm>>
      tpu.wait_dma2 semaphore(%arg20 : memref<!tpu.dma_semaphore, #tpu.memory_space<semaphore_mem>>) src(%arg10 : memref<128x128xf32, #tpu.memory_space<vmem>>) dst(%dma_wait3A_317 : memref<128x128xf32, #tpu.memory_space<hbm>>)
      %add3A_318 = arith.constant 1 : i32
      %add3A_319 = arith.addi %add3A_307, %add3A_318 : i32
      %dma_start3A_320 = arith.constant 0 : i32
      %dma_start3A_321 = tpu.memref_slice %arg6[%add3A_319, %dma_start3A_320] : memref<32x128xi32, #tpu.memory_space<vmem>> -> memref<1x128xi32, #tpu.memory_space<vmem>>
      %dma_start3A_322 = tpu.memref_squeeze %dma_start3A_321 : memref<1x128xi32, #tpu.memory_space<vmem>> -> memref<128xi32, #tpu.memory_space<vmem>>
      %dma_start3A_323 = arith.constant 0 : i32
      %dma_start3A_324 = arith.constant 0 : i32
      %dma_start3A_325 = tpu.memref_slice %arg3[%dma_start3A_323, %dma_start3A_324] : memref<100000x128xf32, #tpu.memory_space<hbm>> -> memref<100000x128xf32, #tpu.memory_space<hbm>>
      tpu.enqueue_indirect_dma source(%dma_start3A_325 : memref<100000x128xf32, #tpu.memory_space<hbm>>) target(%arg10 : memref<128x128xf32, #tpu.memory_space<vmem>>) offsets(%dma_start3A_322 : memref<128xi32, #tpu.memory_space<vmem>>) semaphore(%arg14 : memref<!tpu.dma_semaphore, #tpu.memory_space<semaphore_mem>>)
      %dma_wait3A_326 = arith.constant 0 : i32
      %dma_wait3A_327 = tpu.memref_slice %arg6[%add3A_307, %dma_wait3A_326] : memref<32x128xi32, #tpu.memory_space<vmem>> -> memref<1x128xi32, #tpu.memory_space<vmem>>
      %dma_wait3A_328 = tpu.memref_squeeze %dma_wait3A_327 : memref<1x128xi32, #tpu.memory_space<vmem>> -> memref<128xi32, #tpu.memory_space<vmem>>
      %dma_wait3A_329 = arith.constant 0 : i32
      %dma_wait3A_330 = arith.constant 0 : i32
      %dma_wait3A_331 = tpu.memref_slice %arg3[%dma_wait3A_329, %dma_wait3A_330] : memref<100000x128xf32, #tpu.memory_space<hbm>> -> memref<100000x128xf32, #tpu.memory_space<hbm>>
      tpu.wait_indirect_dma semaphore(%arg13 : memref<!tpu.dma_semaphore, #tpu.memory_space<semaphore_mem>>) src(%dma_wait3A_331 : memref<100000x128xf32, #tpu.memory_space<hbm>>) dst(%arg9 : memref<128x128xf32, #tpu.memory_space<vmem>>)
      %jit3A_332 = arith.constant 16 : i32
      %eq3A_333 = arith.constant 0 : i32
      %eq3A_334 = arith.cmpi eq, %jit3A_332, %eq3A_333 : i32
      %jit3A_335 = arith.constant 1 : i32
      %select_n3A_336 = arith.select %eq3A_334, %jit3A_335, %jit3A_332 : i32
      %rem3A_337 = arith.remsi %add3A_307, %select_n3A_336 : i32
      %ne3A_338 = arith.constant 0 : i32
      %ne3A_339 = arith.cmpi ne, %rem3A_337, %ne3A_338 : i32
      %lt3A_340 = arith.constant 0 : i32
      %lt3A_341 = arith.cmpi slt, %rem3A_337, %lt3A_340 : i32
      %lt3A_342 = arith.constant 0 : i32
      %lt3A_343 = arith.cmpi slt, %select_n3A_336, %lt3A_342 : i32
      %ne3A_344 = arith.xori %lt3A_341, %lt3A_343 : i1
      %and3A_345 = arith.andi %ne3A_344, %ne3A_339 : i1
      %add3A_346 = arith.addi %rem3A_337, %select_n3A_336 : i32
      %select_n3A_347 = arith.select %and3A_345, %add3A_346, %rem3A_337 : i32
      %mul3A_348 = arith.constant 128 : i32
      %mul3A_349 = arith.muli %select_n3A_347, %mul3A_348 : i32
      %dma_start3A_350 = tpu.memref_slice %arg7[%mul3A_349] : memref<2048xi32, #tpu.memory_space<vmem>> -> memref<128xi32, #tpu.memory_space<vmem>>
      %dma_start3A_351 = arith.constant 0 : i32
      %dma_start3A_352 = arith.constant 0 : i32
      %dma_start3A_353 = tpu.memref_slice %arg11[%dma_start3A_351, %dma_start3A_352] : memref<2048x128xf32, #tpu.memory_space<vmem_shared>> -> memref<2048x128xf32, #tpu.memory_space<vmem_shared>>
      tpu.enqueue_indirect_dma source(%dma_start3A_353 : memref<2048x128xf32, #tpu.memory_space<vmem_shared>>) target(%arg9 : memref<128x128xf32, #tpu.memory_space<vmem>>) offsets(%dma_start3A_350 : memref<128xi32, #tpu.memory_space<vmem>>) semaphore(%arg16 : memref<!tpu.dma_semaphore, #tpu.memory_space<semaphore_mem>>) {add = true}
      %sub3A_354 = arith.constant 1 : i32
      %sub3A_355 = arith.subi %add3A_307, %sub3A_354 : i32
      %jit3A_356 = arith.constant 16 : i32
      %eq3A_357 = arith.constant 0 : i32
      %eq3A_358 = arith.cmpi eq, %jit3A_356, %eq3A_357 : i32
      %jit3A_359 = arith.constant 1 : i32
      %select_n3A_360 = arith.select %eq3A_358, %jit3A_359, %jit3A_356 : i32
      %rem3A_361 = arith.remsi %sub3A_355, %select_n3A_360 : i32
      %ne3A_362 = arith.constant 0 : i32
      %ne3A_363 = arith.cmpi ne, %rem3A_361, %ne3A_362 : i32
      %lt3A_364 = arith.constant 0 : i32
      %lt3A_365 = arith.cmpi slt, %rem3A_361, %lt3A_364 : i32
      %lt3A_366 = arith.constant 0 : i32
      %lt3A_367 = arith.cmpi slt, %select_n3A_360, %lt3A_366 : i32
      %ne3A_368 = arith.xori %lt3A_365, %lt3A_367 : i1
      %and3A_369 = arith.andi %ne3A_368, %ne3A_363 : i1
      %add3A_370 = arith.addi %rem3A_361, %select_n3A_360 : i32
      %select_n3A_371 = arith.select %and3A_369, %add3A_370, %rem3A_361 : i32
      %mul3A_372 = arith.constant 128 : i32
      %mul3A_373 = arith.muli %select_n3A_371, %mul3A_372 : i32
      %dma_wait3A_374 = tpu.memref_slice %arg7[%mul3A_373] : memref<2048xi32, #tpu.memory_space<vmem>> -> memref<128xi32, #tpu.memory_space<vmem>>
      %dma_wait3A_375 = arith.constant 0 : i32
      %dma_wait3A_376 = arith.constant 0 : i32
      %dma_wait3A_377 = tpu.memref_slice %arg11[%dma_wait3A_375, %dma_wait3A_376] : memref<2048x128xf32, #tpu.memory_space<vmem_shared>> -> memref<2048x128xf32, #tpu.memory_space<vmem_shared>>
      tpu.wait_indirect_dma semaphore(%arg15 : memref<!tpu.dma_semaphore, #tpu.memory_space<semaphore_mem>>) src(%dma_wait3A_377 : memref<2048x128xf32, #tpu.memory_space<vmem_shared>>) dst(%arg8 : memref<128x128xf32, #tpu.memory_space<vmem>>)
      %sub3A_378 = arith.constant 1 : i32
      %sub3A_379 = arith.subi %add3A_307, %sub3A_378 : i32
      %dma_start3A_380 = arith.constant 0 : i32
      %dma_start3A_381 = arith.constant 0 : i32
      %dma_start3A_382 = tpu.memref_slice %arg5[%add3A, %sub3A_379, %dma_start3A_380, %dma_start3A_381] : memref<32x32x128x128xf32, #tpu.memory_space<hbm>> -> memref<1x1x128x128xf32, #tpu.memory_space<hbm>>
      %dma_start3A_383 = tpu.memref_squeeze %dma_start3A_382 : memref<1x1x128x128xf32, #tpu.memory_space<hbm>> -> memref<128x128xf32, #tpu.memory_space<hbm>>
      %dma_start3A_384 = arith.constant 0 : i32
      %dma_start3A_385 = arith.constant 0 : i32
      %dma_start3A_386 = tpu.memref_slice %arg5[%add3A, %sub3A_379, %dma_start3A_384, %dma_start3A_385] : memref<32x32x128x128xf32, #tpu.memory_space<hbm>> -> memref<1x1x128x128xf32, #tpu.memory_space<hbm>>
      %dma_start3A_387 = tpu.memref_squeeze %dma_start3A_386 : memref<1x1x128x128xf32, #tpu.memory_space<hbm>> -> memref<128x128xf32, #tpu.memory_space<hbm>>
      tpu.enqueue_dma source(%arg8 : memref<128x128xf32, #tpu.memory_space<vmem>>) target(%dma_start3A_387 : memref<128x128xf32, #tpu.memory_space<hbm>>) target_semaphore(%arg18 : memref<!tpu.dma_semaphore, #tpu.memory_space<semaphore_mem>>)
      %mul3A_388 = arith.constant 3 : i32
      %mul3A_389 = arith.muli %scan3A_226, %mul3A_388 : i32
      %add3A_390 = arith.constant 2 : i32
      %add3A_391 = arith.addi %mul3A_389, %add3A_390 : i32
      %sub3A_392 = arith.constant 2 : i32
      %sub3A_393 = arith.subi %add3A_391, %sub3A_392 : i32
      %dma_wait3A_394 = arith.constant 0 : i32
      %dma_wait3A_395 = arith.constant 0 : i32
      %dma_wait3A_396 = tpu.memref_slice %arg5[%add3A, %sub3A_393, %dma_wait3A_394, %dma_wait3A_395] : memref<32x32x128x128xf32, #tpu.memory_space<hbm>> -> memref<1x1x128x128xf32, #tpu.memory_space<hbm>>
      %dma_wait3A_397 = tpu.memref_squeeze %dma_wait3A_396 : memref<1x1x128x128xf32, #tpu.memory_space<hbm>> -> memref<128x128xf32, #tpu.memory_space<hbm>>
      %dma_wait3A_398 = arith.constant 0 : i32
      %dma_wait3A_399 = arith.constant 0 : i32
      %dma_wait3A_400 = tpu.memref_slice %arg5[%add3A, %sub3A_393, %dma_wait3A_398, %dma_wait3A_399] : memref<32x32x128x128xf32, #tpu.memory_space<hbm>> -> memref<1x1x128x128xf32, #tpu.memory_space<hbm>>
      %dma_wait3A_401 = tpu.memref_squeeze %dma_wait3A_400 : memref<1x1x128x128xf32, #tpu.memory_space<hbm>> -> memref<128x128xf32, #tpu.memory_space<hbm>>
      tpu.wait_dma2 semaphore(%arg18 : memref<!tpu.dma_semaphore, #tpu.memory_space<semaphore_mem>>) src(%arg8 : memref<128x128xf32, #tpu.memory_space<vmem>>) dst(%dma_wait3A_401 : memref<128x128xf32, #tpu.memory_space<hbm>>)
      %add3A_402 = arith.constant 1 : i32
      %add3A_403 = arith.addi %add3A_391, %add3A_402 : i32
      %dma_start3A_404 = arith.constant 0 : i32
      %dma_start3A_405 = tpu.memref_slice %arg6[%add3A_403, %dma_start3A_404] : memref<32x128xi32, #tpu.memory_space<vmem>> -> memref<1x128xi32, #tpu.memory_space<vmem>>
      %dma_start3A_406 = tpu.memref_squeeze %dma_start3A_405 : memref<1x128xi32, #tpu.memory_space<vmem>> -> memref<128xi32, #tpu.memory_space<vmem>>
      %dma_start3A_407 = arith.constant 0 : i32
      %dma_start3A_408 = arith.constant 0 : i32
      %dma_start3A_409 = tpu.memref_slice %arg3[%dma_start3A_407, %dma_start3A_408] : memref<100000x128xf32, #tpu.memory_space<hbm>> -> memref<100000x128xf32, #tpu.memory_space<hbm>>
      tpu.enqueue_indirect_dma source(%dma_start3A_409 : memref<100000x128xf32, #tpu.memory_space<hbm>>) target(%arg8 : memref<128x128xf32, #tpu.memory_space<vmem>>) offsets(%dma_start3A_406 : memref<128xi32, #tpu.memory_space<vmem>>) semaphore(%arg12 : memref<!tpu.dma_semaphore, #tpu.memory_space<semaphore_mem>>)
      %dma_wait3A_410 = arith.constant 0 : i32
      %dma_wait3A_411 = tpu.memref_slice %arg6[%add3A_391, %dma_wait3A_410] : memref<32x128xi32, #tpu.memory_space<vmem>> -> memref<1x128xi32, #tpu.memory_space<vmem>>
      %dma_wait3A_412 = tpu.memref_squeeze %dma_wait3A_411 : memref<1x128xi32, #tpu.memory_space<vmem>> -> memref<128xi32, #tpu.memory_space<vmem>>
      %dma_wait3A_413 = arith.constant 0 : i32
      %dma_wait3A_414 = arith.constant 0 : i32
      %dma_wait3A_415 = tpu.memref_slice %arg3[%dma_wait3A_413, %dma_wait3A_414] : memref<100000x128xf32, #tpu.memory_space<hbm>> -> memref<100000x128xf32, #tpu.memory_space<hbm>>
      tpu.wait_indirect_dma semaphore(%arg14 : memref<!tpu.dma_semaphore, #tpu.memory_space<semaphore_mem>>) src(%dma_wait3A_415 : memref<100000x128xf32, #tpu.memory_space<hbm>>) dst(%arg10 : memref<128x128xf32, #tpu.memory_space<vmem>>)
      %jit3A_416 = arith.constant 16 : i32
      %eq3A_417 = arith.constant 0 : i32
      %eq3A_418 = arith.cmpi eq, %jit3A_416, %eq3A_417 : i32
      %jit3A_419 = arith.constant 1 : i32
      %select_n3A_420 = arith.select %eq3A_418, %jit3A_419, %jit3A_416 : i32
      %rem3A_421 = arith.remsi %add3A_391, %select_n3A_420 : i32
      %ne3A_422 = arith.constant 0 : i32
      %ne3A_423 = arith.cmpi ne, %rem3A_421, %ne3A_422 : i32
      %lt3A_424 = arith.constant 0 : i32
      %lt3A_425 = arith.cmpi slt, %rem3A_421, %lt3A_424 : i32
      %lt3A_426 = arith.constant 0 : i32
      %lt3A_427 = arith.cmpi slt, %select_n3A_420, %lt3A_426 : i32
      %ne3A_428 = arith.xori %lt3A_425, %lt3A_427 : i1
      %and3A_429 = arith.andi %ne3A_428, %ne3A_423 : i1
      %add3A_430 = arith.addi %rem3A_421, %select_n3A_420 : i32
      %select_n3A_431 = arith.select %and3A_429, %add3A_430, %rem3A_421 : i32
      %mul3A_432 = arith.constant 128 : i32
      %mul3A_433 = arith.muli %select_n3A_431, %mul3A_432 : i32
      %dma_start3A_434 = tpu.memref_slice %arg7[%mul3A_433] : memref<2048xi32, #tpu.memory_space<vmem>> -> memref<128xi32, #tpu.memory_space<vmem>>
      %dma_start3A_435 = arith.constant 0 : i32
      %dma_start3A_436 = arith.constant 0 : i32
      %dma_start3A_437 = tpu.memref_slice %arg11[%dma_start3A_435, %dma_start3A_436] : memref<2048x128xf32, #tpu.memory_space<vmem_shared>> -> memref<2048x128xf32, #tpu.memory_space<vmem_shared>>
      tpu.enqueue_indirect_dma source(%dma_start3A_437 : memref<2048x128xf32, #tpu.memory_space<vmem_shared>>) target(%arg10 : memref<128x128xf32, #tpu.memory_space<vmem>>) offsets(%dma_start3A_434 : memref<128xi32, #tpu.memory_space<vmem>>) semaphore(%arg17 : memref<!tpu.dma_semaphore, #tpu.memory_space<semaphore_mem>>) {add = true}
      %sub3A_438 = arith.constant 1 : i32
      %sub3A_439 = arith.subi %add3A_391, %sub3A_438 : i32
      %jit3A_440 = arith.constant 16 : i32
      %eq3A_441 = arith.constant 0 : i32
      %eq3A_442 = arith.cmpi eq, %jit3A_440, %eq3A_441 : i32
      %jit3A_443 = arith.constant 1 : i32
      %select_n3A_444 = arith.select %eq3A_442, %jit3A_443, %jit3A_440 : i32
      %rem3A_445 = arith.remsi %sub3A_439, %select_n3A_444 : i32
      %ne3A_446 = arith.constant 0 : i32
      %ne3A_447 = arith.cmpi ne, %rem3A_445, %ne3A_446 : i32
      %lt3A_448 = arith.constant 0 : i32
      %lt3A_449 = arith.cmpi slt, %rem3A_445, %lt3A_448 : i32
      %lt3A_450 = arith.constant 0 : i32
      %lt3A_451 = arith.cmpi slt, %select_n3A_444, %lt3A_450 : i32
      %ne3A_452 = arith.xori %lt3A_449, %lt3A_451 : i1
      %and3A_453 = arith.andi %ne3A_452, %ne3A_447 : i1
      %add3A_454 = arith.addi %rem3A_445, %select_n3A_444 : i32
      %select_n3A_455 = arith.select %and3A_453, %add3A_454, %rem3A_445 : i32
      %mul3A_456 = arith.constant 128 : i32
      %mul3A_457 = arith.muli %select_n3A_455, %mul3A_456 : i32
      %dma_wait3A_458 = tpu.memref_slice %arg7[%mul3A_457] : memref<2048xi32, #tpu.memory_space<vmem>> -> memref<128xi32, #tpu.memory_space<vmem>>
      %dma_wait3A_459 = arith.constant 0 : i32
      %dma_wait3A_460 = arith.constant 0 : i32
      %dma_wait3A_461 = tpu.memref_slice %arg11[%dma_wait3A_459, %dma_wait3A_460] : memref<2048x128xf32, #tpu.memory_space<vmem_shared>> -> memref<2048x128xf32, #tpu.memory_space<vmem_shared>>
      tpu.wait_indirect_dma semaphore(%arg16 : memref<!tpu.dma_semaphore, #tpu.memory_space<semaphore_mem>>) src(%dma_wait3A_461 : memref<2048x128xf32, #tpu.memory_space<vmem_shared>>) dst(%arg9 : memref<128x128xf32, #tpu.memory_space<vmem>>)
      %sub3A_462 = arith.constant 1 : i32
      %sub3A_463 = arith.subi %add3A_391, %sub3A_462 : i32
      %dma_start3A_464 = arith.constant 0 : i32
      %dma_start3A_465 = arith.constant 0 : i32
      %dma_start3A_466 = tpu.memref_slice %arg5[%add3A, %sub3A_463, %dma_start3A_464, %dma_start3A_465] : memref<32x32x128x128xf32, #tpu.memory_space<hbm>> -> memref<1x1x128x128xf32, #tpu.memory_space<hbm>>
      %dma_start3A_467 = tpu.memref_squeeze %dma_start3A_466 : memref<1x1x128x128xf32, #tpu.memory_space<hbm>> -> memref<128x128xf32, #tpu.memory_space<hbm>>
      %dma_start3A_468 = arith.constant 0 : i32
      %dma_start3A_469 = arith.constant 0 : i32
      %dma_start3A_470 = tpu.memref_slice %arg5[%add3A, %sub3A_463, %dma_start3A_468, %dma_start3A_469] : memref<32x32x128x128xf32, #tpu.memory_space<hbm>> -> memref<1x1x128x128xf32, #tpu.memory_space<hbm>>
      %dma_start3A_471 = tpu.memref_squeeze %dma_start3A_470 : memref<1x1x128x128xf32, #tpu.memory_space<hbm>> -> memref<128x128xf32, #tpu.memory_space<hbm>>
      tpu.enqueue_dma source(%arg9 : memref<128x128xf32, #tpu.memory_space<vmem>>) target(%dma_start3A_471 : memref<128x128xf32, #tpu.memory_space<hbm>>) target_semaphore(%arg19 : memref<!tpu.dma_semaphore, #tpu.memory_space<semaphore_mem>>)
      %scan3A_472 = arith.constant 0 : i32
      scf.yield %scan3A_472 : i32
    }
    %scan3A_116 = arith.constant 9 : i32
    %dma_wait3A_117 = arith.constant 28 : i32
    %dma_wait3A_118 = arith.constant 0 : i32
    %dma_wait3A_119 = arith.constant 0 : i32
    %dma_wait3A_120 = tpu.memref_slice %arg5[%add3A, %dma_wait3A_117, %dma_wait3A_118, %dma_wait3A_119] : memref<32x32x128x128xf32, #tpu.memory_space<hbm>> -> memref<1x1x128x128xf32, #tpu.memory_space<hbm>>
    %dma_wait3A_121 = tpu.memref_squeeze %dma_wait3A_120 : memref<1x1x128x128xf32, #tpu.memory_space<hbm>> -> memref<128x128xf32, #tpu.memory_space<hbm>>
    %dma_wait3A_122 = arith.constant 0 : i32
    %dma_wait3A_123 = arith.constant 0 : i32
    %dma_wait3A_124 = tpu.memref_slice %arg5[%add3A, %dma_wait3A_117, %dma_wait3A_122, %dma_wait3A_123] : memref<32x32x128x128xf32, #tpu.memory_space<hbm>> -> memref<1x1x128x128xf32, #tpu.memory_space<hbm>>
    %dma_wait3A_125 = tpu.memref_squeeze %dma_wait3A_124 : memref<1x1x128x128xf32, #tpu.memory_space<hbm>> -> memref<128x128xf32, #tpu.memory_space<hbm>>
    tpu.wait_dma2 semaphore(%arg19 : memref<!tpu.dma_semaphore, #tpu.memory_space<semaphore_mem>>) src(%arg9 : memref<128x128xf32, #tpu.memory_space<vmem>>) dst(%dma_wait3A_125 : memref<128x128xf32, #tpu.memory_space<hbm>>)
    %dma_start3A_126 = arith.constant 31 : i32
    %dma_start3A_127 = arith.constant 0 : i32
    %dma_start3A_128 = tpu.memref_slice %arg6[%dma_start3A_126, %dma_start3A_127] : memref<32x128xi32, #tpu.memory_space<vmem>> -> memref<1x128xi32, #tpu.memory_space<vmem>>
    %dma_start3A_129 = tpu.memref_squeeze %dma_start3A_128 : memref<1x128xi32, #tpu.memory_space<vmem>> -> memref<128xi32, #tpu.memory_space<vmem>>
    %dma_start3A_130 = arith.constant 0 : i32
    %dma_start3A_131 = arith.constant 0 : i32
    %dma_start3A_132 = tpu.memref_slice %arg3[%dma_start3A_130, %dma_start3A_131] : memref<100000x128xf32, #tpu.memory_space<hbm>> -> memref<100000x128xf32, #tpu.memory_space<hbm>>
    tpu.enqueue_indirect_dma source(%dma_start3A_132 : memref<100000x128xf32, #tpu.memory_space<hbm>>) target(%arg9 : memref<128x128xf32, #tpu.memory_space<vmem>>) offsets(%dma_start3A_129 : memref<128xi32, #tpu.memory_space<vmem>>) semaphore(%arg13 : memref<!tpu.dma_semaphore, #tpu.memory_space<semaphore_mem>>)
    %dma_wait3A_133 = arith.constant 30 : i32
    %dma_wait3A_134 = arith.constant 0 : i32
    %dma_wait3A_135 = tpu.memref_slice %arg6[%dma_wait3A_133, %dma_wait3A_134] : memref<32x128xi32, #tpu.memory_space<vmem>> -> memref<1x128xi32, #tpu.memory_space<vmem>>
    %dma_wait3A_136 = tpu.memref_squeeze %dma_wait3A_135 : memref<1x128xi32, #tpu.memory_space<vmem>> -> memref<128xi32, #tpu.memory_space<vmem>>
    %dma_wait3A_137 = arith.constant 0 : i32
    %dma_wait3A_138 = arith.constant 0 : i32
    %dma_wait3A_139 = tpu.memref_slice %arg3[%dma_wait3A_137, %dma_wait3A_138] : memref<100000x128xf32, #tpu.memory_space<hbm>> -> memref<100000x128xf32, #tpu.memory_space<hbm>>
    tpu.wait_indirect_dma semaphore(%arg12 : memref<!tpu.dma_semaphore, #tpu.memory_space<semaphore_mem>>) src(%dma_wait3A_139 : memref<100000x128xf32, #tpu.memory_space<hbm>>) dst(%arg8 : memref<128x128xf32, #tpu.memory_space<vmem>>)
    %dma_start3A_140 = arith.constant 1792 : i32
    %dma_start3A_141 = tpu.memref_slice %arg7[%dma_start3A_140] : memref<2048xi32, #tpu.memory_space<vmem>> -> memref<128xi32, #tpu.memory_space<vmem>>
    %dma_start3A_142 = arith.constant 0 : i32
    %dma_start3A_143 = arith.constant 0 : i32
    %dma_start3A_144 = tpu.memref_slice %arg11[%dma_start3A_142, %dma_start3A_143] : memref<2048x128xf32, #tpu.memory_space<vmem_shared>> -> memref<2048x128xf32, #tpu.memory_space<vmem_shared>>
    tpu.enqueue_indirect_dma source(%dma_start3A_144 : memref<2048x128xf32, #tpu.memory_space<vmem_shared>>) target(%arg8 : memref<128x128xf32, #tpu.memory_space<vmem>>) offsets(%dma_start3A_141 : memref<128xi32, #tpu.memory_space<vmem>>) semaphore(%arg15 : memref<!tpu.dma_semaphore, #tpu.memory_space<semaphore_mem>>) {add = true}
    %dma_wait3A_145 = arith.constant 1664 : i32
    %dma_wait3A_146 = tpu.memref_slice %arg7[%dma_wait3A_145] : memref<2048xi32, #tpu.memory_space<vmem>> -> memref<128xi32, #tpu.memory_space<vmem>>
    %dma_wait3A_147 = arith.constant 0 : i32
    %dma_wait3A_148 = arith.constant 0 : i32
    %dma_wait3A_149 = tpu.memref_slice %arg11[%dma_wait3A_147, %dma_wait3A_148] : memref<2048x128xf32, #tpu.memory_space<vmem_shared>> -> memref<2048x128xf32, #tpu.memory_space<vmem_shared>>
    tpu.wait_indirect_dma semaphore(%arg17 : memref<!tpu.dma_semaphore, #tpu.memory_space<semaphore_mem>>) src(%dma_wait3A_149 : memref<2048x128xf32, #tpu.memory_space<vmem_shared>>) dst(%arg10 : memref<128x128xf32, #tpu.memory_space<vmem>>)
    %dma_start3A_150 = arith.constant 29 : i32
    %dma_start3A_151 = arith.constant 0 : i32
    %dma_start3A_152 = arith.constant 0 : i32
    %dma_start3A_153 = tpu.memref_slice %arg5[%add3A, %dma_start3A_150, %dma_start3A_151, %dma_start3A_152] : memref<32x32x128x128xf32, #tpu.memory_space<hbm>> -> memref<1x1x128x128xf32, #tpu.memory_space<hbm>>
    %dma_start3A_154 = tpu.memref_squeeze %dma_start3A_153 : memref<1x1x128x128xf32, #tpu.memory_space<hbm>> -> memref<128x128xf32, #tpu.memory_space<hbm>>
    %dma_start3A_155 = arith.constant 0 : i32
    %dma_start3A_156 = arith.constant 0 : i32
    %dma_start3A_157 = tpu.memref_slice %arg5[%add3A, %dma_start3A_150, %dma_start3A_155, %dma_start3A_156] : memref<32x32x128x128xf32, #tpu.memory_space<hbm>> -> memref<1x1x128x128xf32, #tpu.memory_space<hbm>>
    %dma_start3A_158 = tpu.memref_squeeze %dma_start3A_157 : memref<1x1x128x128xf32, #tpu.memory_space<hbm>> -> memref<128x128xf32, #tpu.memory_space<hbm>>
    tpu.enqueue_dma source(%arg10 : memref<128x128xf32, #tpu.memory_space<vmem>>) target(%dma_start3A_158 : memref<128x128xf32, #tpu.memory_space<hbm>>) target_semaphore(%arg20 : memref<!tpu.dma_semaphore, #tpu.memory_space<semaphore_mem>>)
    %dma_wait3A_159 = arith.constant 29 : i32
    %dma_wait3A_160 = arith.constant 0 : i32
    %dma_wait3A_161 = arith.constant 0 : i32
    %dma_wait3A_162 = tpu.memref_slice %arg5[%add3A, %dma_wait3A_159, %dma_wait3A_160, %dma_wait3A_161] : memref<32x32x128x128xf32, #tpu.memory_space<hbm>> -> memref<1x1x128x128xf32, #tpu.memory_space<hbm>>
    %dma_wait3A_163 = tpu.memref_squeeze %dma_wait3A_162 : memref<1x1x128x128xf32, #tpu.memory_space<hbm>> -> memref<128x128xf32, #tpu.memory_space<hbm>>
    %dma_wait3A_164 = arith.constant 0 : i32
    %dma_wait3A_165 = arith.constant 0 : i32
    %dma_wait3A_166 = tpu.memref_slice %arg5[%add3A, %dma_wait3A_159, %dma_wait3A_164, %dma_wait3A_165] : memref<32x32x128x128xf32, #tpu.memory_space<hbm>> -> memref<1x1x128x128xf32, #tpu.memory_space<hbm>>
    %dma_wait3A_167 = tpu.memref_squeeze %dma_wait3A_166 : memref<1x1x128x128xf32, #tpu.memory_space<hbm>> -> memref<128x128xf32, #tpu.memory_space<hbm>>
    tpu.wait_dma2 semaphore(%arg20 : memref<!tpu.dma_semaphore, #tpu.memory_space<semaphore_mem>>) src(%arg10 : memref<128x128xf32, #tpu.memory_space<vmem>>) dst(%dma_wait3A_167 : memref<128x128xf32, #tpu.memory_space<hbm>>)
    %dma_wait3A_168 = arith.constant 31 : i32
    %dma_wait3A_169 = arith.constant 0 : i32
    %dma_wait3A_170 = tpu.memref_slice %arg6[%dma_wait3A_168, %dma_wait3A_169] : memref<32x128xi32, #tpu.memory_space<vmem>> -> memref<1x128xi32, #tpu.memory_space<vmem>>
    %dma_wait3A_171 = tpu.memref_squeeze %dma_wait3A_170 : memref<1x128xi32, #tpu.memory_space<vmem>> -> memref<128xi32, #tpu.memory_space<vmem>>
    %dma_wait3A_172 = arith.constant 0 : i32
    %dma_wait3A_173 = arith.constant 0 : i32
    %dma_wait3A_174 = tpu.memref_slice %arg3[%dma_wait3A_172, %dma_wait3A_173] : memref<100000x128xf32, #tpu.memory_space<hbm>> -> memref<100000x128xf32, #tpu.memory_space<hbm>>
    tpu.wait_indirect_dma semaphore(%arg13 : memref<!tpu.dma_semaphore, #tpu.memory_space<semaphore_mem>>) src(%dma_wait3A_174 : memref<100000x128xf32, #tpu.memory_space<hbm>>) dst(%arg9 : memref<128x128xf32, #tpu.memory_space<vmem>>)
    %dma_start3A_175 = arith.constant 1920 : i32
    %dma_start3A_176 = tpu.memref_slice %arg7[%dma_start3A_175] : memref<2048xi32, #tpu.memory_space<vmem>> -> memref<128xi32, #tpu.memory_space<vmem>>
    %dma_start3A_177 = arith.constant 0 : i32
    %dma_start3A_178 = arith.constant 0 : i32
    %dma_start3A_179 = tpu.memref_slice %arg11[%dma_start3A_177, %dma_start3A_178] : memref<2048x128xf32, #tpu.memory_space<vmem_shared>> -> memref<2048x128xf32, #tpu.memory_space<vmem_shared>>
    tpu.enqueue_indirect_dma source(%dma_start3A_179 : memref<2048x128xf32, #tpu.memory_space<vmem_shared>>) target(%arg9 : memref<128x128xf32, #tpu.memory_space<vmem>>) offsets(%dma_start3A_176 : memref<128xi32, #tpu.memory_space<vmem>>) semaphore(%arg16 : memref<!tpu.dma_semaphore, #tpu.memory_space<semaphore_mem>>) {add = true}
    %dma_wait3A_180 = arith.constant 1792 : i32
    %dma_wait3A_181 = tpu.memref_slice %arg7[%dma_wait3A_180] : memref<2048xi32, #tpu.memory_space<vmem>> -> memref<128xi32, #tpu.memory_space<vmem>>
    %dma_wait3A_182 = arith.constant 0 : i32
    %dma_wait3A_183 = arith.constant 0 : i32
    %dma_wait3A_184 = tpu.memref_slice %arg11[%dma_wait3A_182, %dma_wait3A_183] : memref<2048x128xf32, #tpu.memory_space<vmem_shared>> -> memref<2048x128xf32, #tpu.memory_space<vmem_shared>>
    tpu.wait_indirect_dma semaphore(%arg15 : memref<!tpu.dma_semaphore, #tpu.memory_space<semaphore_mem>>) src(%dma_wait3A_184 : memref<2048x128xf32, #tpu.memory_space<vmem_shared>>) dst(%arg8 : memref<128x128xf32, #tpu.memory_space<vmem>>)
    %dma_start3A_185 = arith.constant 30 : i32
    %dma_start3A_186 = arith.constant 0 : i32
    %dma_start3A_187 = arith.constant 0 : i32
    %dma_start3A_188 = tpu.memref_slice %arg5[%add3A, %dma_start3A_185, %dma_start3A_186, %dma_start3A_187] : memref<32x32x128x128xf32, #tpu.memory_space<hbm>> -> memref<1x1x128x128xf32, #tpu.memory_space<hbm>>
    %dma_start3A_189 = tpu.memref_squeeze %dma_start3A_188 : memref<1x1x128x128xf32, #tpu.memory_space<hbm>> -> memref<128x128xf32, #tpu.memory_space<hbm>>
    %dma_start3A_190 = arith.constant 0 : i32
    %dma_start3A_191 = arith.constant 0 : i32
    %dma_start3A_192 = tpu.memref_slice %arg5[%add3A, %dma_start3A_185, %dma_start3A_190, %dma_start3A_191] : memref<32x32x128x128xf32, #tpu.memory_space<hbm>> -> memref<1x1x128x128xf32, #tpu.memory_space<hbm>>
    %dma_start3A_193 = tpu.memref_squeeze %dma_start3A_192 : memref<1x1x128x128xf32, #tpu.memory_space<hbm>> -> memref<128x128xf32, #tpu.memory_space<hbm>>
    tpu.enqueue_dma source(%arg8 : memref<128x128xf32, #tpu.memory_space<vmem>>) target(%dma_start3A_193 : memref<128x128xf32, #tpu.memory_space<hbm>>) target_semaphore(%arg18 : memref<!tpu.dma_semaphore, #tpu.memory_space<semaphore_mem>>)
    %dma_wait3A_194 = arith.constant 1920 : i32
    %dma_wait3A_195 = tpu.memref_slice %arg7[%dma_wait3A_194] : memref<2048xi32, #tpu.memory_space<vmem>> -> memref<128xi32, #tpu.memory_space<vmem>>
    %dma_wait3A_196 = arith.constant 0 : i32
    %dma_wait3A_197 = arith.constant 0 : i32
    %dma_wait3A_198 = tpu.memref_slice %arg11[%dma_wait3A_196, %dma_wait3A_197] : memref<2048x128xf32, #tpu.memory_space<vmem_shared>> -> memref<2048x128xf32, #tpu.memory_space<vmem_shared>>
    tpu.wait_indirect_dma semaphore(%arg16 : memref<!tpu.dma_semaphore, #tpu.memory_space<semaphore_mem>>) src(%dma_wait3A_198 : memref<2048x128xf32, #tpu.memory_space<vmem_shared>>) dst(%arg9 : memref<128x128xf32, #tpu.memory_space<vmem>>)
    %dma_start3A_199 = arith.constant 31 : i32
    %dma_start3A_200 = arith.constant 0 : i32
    %dma_start3A_201 = arith.constant 0 : i32
    %dma_start3A_202 = tpu.memref_slice %arg5[%add3A, %dma_start3A_199, %dma_start3A_200, %dma_start3A_201] : memref<32x32x128x128xf32, #tpu.memory_space<hbm>> -> memref<1x1x128x128xf32, #tpu.memory_space<hbm>>
    %dma_start3A_203 = tpu.memref_squeeze %dma_start3A_202 : memref<1x1x128x128xf32, #tpu.memory_space<hbm>> -> memref<128x128xf32, #tpu.memory_space<hbm>>
    %dma_start3A_204 = arith.constant 0 : i32
    %dma_start3A_205 = arith.constant 0 : i32
    %dma_start3A_206 = tpu.memref_slice %arg5[%add3A, %dma_start3A_199, %dma_start3A_204, %dma_start3A_205] : memref<32x32x128x128xf32, #tpu.memory_space<hbm>> -> memref<1x1x128x128xf32, #tpu.memory_space<hbm>>
    %dma_start3A_207 = tpu.memref_squeeze %dma_start3A_206 : memref<1x1x128x128xf32, #tpu.memory_space<hbm>> -> memref<128x128xf32, #tpu.memory_space<hbm>>
    tpu.enqueue_dma source(%arg9 : memref<128x128xf32, #tpu.memory_space<vmem>>) target(%dma_start3A_207 : memref<128x128xf32, #tpu.memory_space<hbm>>) target_semaphore(%arg19 : memref<!tpu.dma_semaphore, #tpu.memory_space<semaphore_mem>>)
    %dma_wait3A_208 = arith.constant 30 : i32
    %dma_wait3A_209 = arith.constant 0 : i32
    %dma_wait3A_210 = arith.constant 0 : i32
    %dma_wait3A_211 = tpu.memref_slice %arg5[%add3A, %dma_wait3A_208, %dma_wait3A_209, %dma_wait3A_210] : memref<32x32x128x128xf32, #tpu.memory_space<hbm>> -> memref<1x1x128x128xf32, #tpu.memory_space<hbm>>
    %dma_wait3A_212 = tpu.memref_squeeze %dma_wait3A_211 : memref<1x1x128x128xf32, #tpu.memory_space<hbm>> -> memref<128x128xf32, #tpu.memory_space<hbm>>
    %dma_wait3A_213 = arith.constant 0 : i32
    %dma_wait3A_214 = arith.constant 0 : i32
    %dma_wait3A_215 = tpu.memref_slice %arg5[%add3A, %dma_wait3A_208, %dma_wait3A_213, %dma_wait3A_214] : memref<32x32x128x128xf32, #tpu.memory_space<hbm>> -> memref<1x1x128x128xf32, #tpu.memory_space<hbm>>
    %dma_wait3A_216 = tpu.memref_squeeze %dma_wait3A_215 : memref<1x1x128x128xf32, #tpu.memory_space<hbm>> -> memref<128x128xf32, #tpu.memory_space<hbm>>
    tpu.wait_dma2 semaphore(%arg18 : memref<!tpu.dma_semaphore, #tpu.memory_space<semaphore_mem>>) src(%arg8 : memref<128x128xf32, #tpu.memory_space<vmem>>) dst(%dma_wait3A_216 : memref<128x128xf32, #tpu.memory_space<hbm>>)
    %dma_wait3A_217 = arith.constant 31 : i32
    %dma_wait3A_218 = arith.constant 0 : i32
    %dma_wait3A_219 = arith.constant 0 : i32
    %dma_wait3A_220 = tpu.memref_slice %arg5[%add3A, %dma_wait3A_217, %dma_wait3A_218, %dma_wait3A_219] : memref<32x32x128x128xf32, #tpu.memory_space<hbm>> -> memref<1x1x128x128xf32, #tpu.memory_space<hbm>>
    %dma_wait3A_221 = tpu.memref_squeeze %dma_wait3A_220 : memref<1x1x128x128xf32, #tpu.memory_space<hbm>> -> memref<128x128xf32, #tpu.memory_space<hbm>>
    %dma_wait3A_222 = arith.constant 0 : i32
    %dma_wait3A_223 = arith.constant 0 : i32
    %dma_wait3A_224 = tpu.memref_slice %arg5[%add3A, %dma_wait3A_217, %dma_wait3A_222, %dma_wait3A_223] : memref<32x32x128x128xf32, #tpu.memory_space<hbm>> -> memref<1x1x128x128xf32, #tpu.memory_space<hbm>>
    %dma_wait3A_225 = tpu.memref_squeeze %dma_wait3A_224 : memref<1x1x128x128xf32, #tpu.memory_space<hbm>> -> memref<128x128xf32, #tpu.memory_space<hbm>>
    tpu.wait_dma2 semaphore(%arg19 : memref<!tpu.dma_semaphore, #tpu.memory_space<semaphore_mem>>) src(%arg9 : memref<128x128xf32, #tpu.memory_space<vmem>>) dst(%dma_wait3A_225 : memref<128x128xf32, #tpu.memory_space<hbm>>)
    return
  }
}

</mosaic_0001>

<sc_bundles>
// kernel: _embed.3.cloned.1.call-start
scs
__scs_entry_jumppad:
0x0: {  	(pc) =	sbr.rel $0x88, $3  }
0x1: {  	(tag) =	ssettag $0x0;
	lr =	simm.s32 $0x1  }
0x2: {  	[smem:$0x3F9E] =	sst lr;
	_ =	strace $0xD0000000  }
0x3: {  	_ = 	snop  }
0x4: {  	_ = 	snop  }
0x5: {  	_ = 	snop  }
0x6: {  	_ = 	snop  }
0x7: {  	_ = 	snop  }
__scs_overlays_trampoline_lowered:
0x8: {  	[smem:$0x3FAD] =	sst s0  }
0x9: {  	[smem:$0x3FAE] =	sst s1  }
0xa: {  	[smem:$0x3FAF] =	sst s2  }
0xb: {  	[smem:$0x3FB0] =	sst s3  }
0xc: {  	[smem:$0x3FB1] =	sst s4  }
0xd: {  	[smem:$0x3FB2] =	sst s5  }
0xe: {  	[smem:$0x3FB3] =	sst s6  }
0xf: {  	[smem:$0x3FB4] =	sst s7  }
0x10: {  	[smem:$0x3FB5] =	sst s8  }
0x11: {  	[smem:$0x3FB6] =	sst s9;
	s0 =	simm.s32 @!p0 $0x0  }
0x12: {  	s1 =	sld [smem:$0x3F9C];
	s0 =	simm.s32 @p0 $0x1  }
0x13: {  	[smem:$0x3FB7] =	sst s0;
	s0 =	simm.s32 @!p1 $0x0  }
0x14: {  	s2 =	sld [smem:$0x3F9B];
	s0 =	simm.s32 @p1 $0x1  }
0x15: {  	[smem:$0x3FB8] =	sst s0;
	s0 =	simm.s32 @!p2 $0x0  }
0x16: {  	s3 =	sld [smem:$0x3FDB];
	s0 =	simm.s32 @p2 $0x1  }
0x17: {  	s4 =	simm.s32 $0x1BF5;
	[smem:$0x3FBA] =	sst s0  }
0x18: {  	s0 =	sld [smem:$0x3F9D];
	_ =	swait.ge [sflag:s4], $0x0  }
0x19: {  	s7 =	sld [smem:$0x3F9E]  }
0x1a: {  	s8 =	sadd.s32 $0xFFFFE003, lr  }
0x1b: {  	s9 =	sadd.s32 $0xFFFFFEF7, lr;
	s5 =	simm.s32 $0xFFFFFFFF;
	p2 =	slt.u32 s8, $0xFFFFF086  }
0x1c: {  	p1 =	slt.u32 s9, $0xF7A;
	s5 =	simm.s32 @!p2 $0x0  }
0x1d: {  	s5 =	simm.s32 @p1 $0x1;
	p0 =	seq.s32 s7, s2  }
0x1e: {  	s7 =	smul.u32 @!p0 $0xF7A, s2;
	p2 =	seq.s32 @!p0 s5, $0x0  }
0x1f: {  	s9 =	smul.u32 $0xF7A, s1;
	s8 =	simm.s32 @!p0 $0x1BF5;
	p2 =	por !p2, p0  }
0x20: {  	[sflag:s8] =	ssyncset.s32 @!p0 $0xFFFFF086;
	s6 =	sadd.s32 @!p0 s3, s7;
	s7 =	simm.s32 @!p0 $0x108  }
0x21: {  	s3 =	sadd.s32 s3, s9;
	s6 =	sadd.s32 @!p0 $0x88, s6;
	s7 =	simm.s32 @p2 $0x1082  }
0x22: {  	[simem:s7], [sflag:s8] =	dma.local @!p0 [hbm:s6], $0xF7A  }
0x23: {  	s9 =	sor.u32 $0xD0000000, s2;
	s6 =	simm.s32 $0x108;
	_ =	swait.ge @!p0 [sflag:s8], $0x0  }
0x24: {  	s3 =	sadd.s32 $0x88, s3;
	s6 =	simm.s32 @!p1 $0x1082;
	[sflag:s4] =	ssyncset.s32 $0xFFFFF086  }
0x25: {  	[simem:s6], [sflag:s4] =	dma.local [hbm:s3], $0xF7A  }
0x26: {  	[smem:$0x3F9E] =	sst s1;
	(tag) =	ssettag s2;
	_ =	strace s9  }
0x27: {  	s1 =	sld [smem:$0x3FAE]  }
0x28: {  	s2 =	sld [smem:$0x3FAF]  }
0x29: {  	s4 =	sld [smem:$0x3FB1]  }
0x2a: {  	p0 =	seq.s32 s5, $0x0;
	s5 =	sld [smem:$0x3FB2]  }
0x2b: {  	s6 =	sld [smem:$0x3FB3]  }
0x2c: {  	s7 =	sld [smem:$0x3FB4]  }
0x2d: {  	s3 =	simm.s32 $0x108;
	s8 =	sld [smem:$0x3FB5]  }
0x2e: {  	s3 =	simm.s32 @!p0 $0x1082;
	s9 =	sld [smem:$0x3FB6]  }
0x2f: {  	lr =	sadd.s32 s0, s3;
	s0 =	sld [smem:$0x3FAD]  }
0x30: {  	s3 =	sld [smem:$0x3FB0]  }
0x31: {  	[smem:$0x3FB9] =	sst s10  }
0x32: {  	s10 =	sld [smem:$0x3FB7];
	_ =	sdelay $0x3  }
0x33: {  	p0 =	seq.s32 s10, $0x1;
	s10 =	sld [smem:$0x3FB9];
	_ =	sdelay $0x3  }
0x34: {  	[smem:$0x3FB9] =	sst s10  }
0x35: {  	s10 =	sld [smem:$0x3FB8];
	_ =	sdelay $0x3  }
0x36: {  	p1 =	seq.s32 s10, $0x1;
	s10 =	sld [smem:$0x3FB9];
	_ =	sdelay $0x3  }
0x37: {  	[smem:$0x3FB9] =	sst s10  }
0x38: {  	s10 =	sld [smem:$0x3FBA]  }
0x39: {  	_ = 	snop;
	(pc) =	sbr.ind lr, $3  }
0x3a: {  	_ = 	snop  }
0x3b: {  	_ = 	snop  }
0x3c: {  	p2 =	seq.s32 s10, $0x1;
	s10 =	sld [smem:$0x3FB9]  }
0x3d: {  	_ =	shalt  }
0x3e: {  	_ =	shalt  }
0x3f: {  	_ =	shalt  }
0x40: {  	_ =	shalt  }
0x41: {  	_ =	shalt  }
0x42: {  	_ =	shalt  }
0x43: {  	_ =	shalt  }
0x44: {  	_ =	shalt  }
0x45: {  	_ =	shalt  }
0x46: {  	_ =	shalt  }
0x47: {  	_ =	shalt  }
0x48: {  	_ =	shalt  }
0x49: {  	_ =	shalt  }
0x4a: {  	_ =	shalt  }
0x4b: {  	_ =	shalt  }
0x4c: {  	_ =	shalt  }
0x4d: {  	_ =	shalt  }
0x4e: {  	_ =	shalt  }
0x4f: {  	_ =	shalt  }
0x50: {  	_ =	shalt  }
0x51: {  	_ =	shalt  }
0x52: {  	_ =	shalt  }
0x53: {  	_ =	shalt  }
0x54: {  	_ =	shalt  }
0x55: {  	_ =	shalt  }
0x56: {  	_ =	shalt  }
0x57: {  	_ =	shalt  }
0x58: {  	_ =	shalt  }
0x59: {  	_ =	shalt  }
0x5a: {  	_ =	shalt  }
0x5b: {  	_ =	shalt  }
0x5c: {  	_ =	shalt  }
0x5d: {  	_ =	shalt  }
0x5e: {  	_ =	shalt  }
0x5f: {  	_ =	shalt  }
0x60: {  	_ =	shalt  }
0x61: {  	_ =	shalt  }
0x62: {  	_ =	shalt  }
0x63: {  	_ =	shalt  }
0x64: {  	_ =	shalt  }
0x65: {  	_ =	shalt  }
0x66: {  	_ =	shalt  }
0x67: {  	_ =	shalt  }
0x68: {  	_ =	shalt  }
0x69: {  	_ =	shalt  }
0x6a: {  	_ =	shalt  }
0x6b: {  	_ =	shalt  }
0x6c: {  	_ =	shalt  }
0x6d: {  	_ =	shalt  }
0x6e: {  	_ =	shalt  }
0x6f: {  	_ =	shalt  }
0x70: {  	_ =	shalt  }
0x71: {  	_ =	shalt  }
0x72: {  	_ =	shalt  }
0x73: {  	_ =	shalt  }
0x74: {  	_ =	shalt  }
0x75: {  	_ =	shalt  }
0x76: {  	_ =	shalt  }
0x77: {  	_ =	shalt  }
0x78: {  	_ =	shalt  }
0x79: {  	_ =	shalt  }
0x7a: {  	_ =	shalt  }
0x7b: {  	_ =	shalt  }
0x7c: {  	_ =	shalt  }
0x7d: {  	_ =	shalt  }
0x7e: {  	_ =	shalt  }
0x7f: {  	_ =	shalt  }
0x80: {  	_ =	shalt  }
0x81: {  	_ =	shalt  }
0x82: {  	_ =	shalt  }
0x83: {  	_ =	shalt  }
0x84: {  	_ =	shalt  }
0x85: {  	_ =	shalt  }
0x86: {  	_ =	shalt  }
0x87: {  	_ =	shalt  }
.Lfunc_end0:
.L_simem_size_0:
called_computation_lowered:
.L_overlay_start_0:
0x88: {  	s2 =	sld [smem:$0x3FD9]  }
0x89: {  	s3 =	sld [smem:$0x3FFE];
	_ =	sdelay $0x1  }
0x8a: {  	s1 =	srdreg.scid  }
0x8b: {  	s0 =	sand.u32 $0x1, s1  }
0x8c: {  	s18 =	sshll.u32 s0, $0xA;
	s2 =	sadd.s32 s3, s2  }
0x8d: {  	s2 =	sadd.s32 s2, s18  }
0x8e: {  	[smem:$0x3FC5] =	sst s2  }
0x8f: {  	_ = 	snop  }
0x90: {  	s2 =	sld [smem:$0x3FC9]  }
0x91: {  	s19 =	sld [smem:$0x3FC8]  }
0x92: {  	s4 =	sld [smem:$0x3FC7]  }
0x93: {  	s5 =	sld [smem:$0x3FD0];
	(tm) =	ssettm $0x1  }
0x94: {  	s6 =	sld [smem:$0x3FFB];
	_ =	sdelay $0x3  }
0x95: {  	_ =	strace s6  }
0x96: {  	s6 =	sld [smem:$0x3FFC];
	_ =	sdelay $0x3  }
0x97: {  	_ =	strace s6  }
0x98: {  	s6 =	sld [smem:$0x3FFD];
	_ =	sdelay $0x3  }
0x99: {  	_ =	strace s6  }
0x9a: {  	_ =	strace $0x8FFFFFFF  }
0x9b: {  	s20 =	sld [smem:$0x3FDB];
	_ =	sdelay $0x1  }
0x9c: {  	s7 =	simm.s32 $_scs_section_size  }
0x9d: {  	s8 =	simm.s32 $_size__tile_overlayer_lowered;
	s9 =	simm.s32 $_tile_overlayer_lowered  }
0x9e: {  	s23 =	simm.s32 $0x1BFF;
	s22 =	sshll.u32 s9, $0x1;
	s6 =	sadd.s32 s7, s20  }
0x9f: {  	s10 =	simm.s32 $0x0;
	s21 =	sshll.u32 s8, $0x1;
	s8 =	sadd.s32 s22, s6  }
0xa0: {  	[timem:s10], [sflag:s23] =	dma.local [hbm:s8], s21  }
0xa1: {  	_ =	swait.ge [sflag:s23], s21  }
0xa2: {  	s7 =	ssub.s32 $0x0, s21;
	[sflag:s23] =	ssyncset.done $0x0  }
0xa3: {  	[sflag:s23] =	ssyncadd.s32 s7;
	_ =	sdelay $0x1  }
0xa4: {  	s24 =	simm.s32 $0x1B8B  }
0xa5: {  	_ =	swait.ge [sflag:s24], $0x1  }
0xa6: {  	[sflag:s24] =	ssyncset.done $0x0  }
0xa7: {  	s25 =	simm.s32 $0x1B8E;
	[sflag:s24] =	ssyncadd.s32 $0xFFFFFFFF  }
0xa8: {  	s26 =	simm.s32 $execute0_lowered;
	[smem:$0x3FD2] =	sst s25  }
0xa9: {  	s7 =	sshll.u32 s26, $0x1;
	_ =	strace $0x80000046;
	[dreg:$0x1] =	wrdreg $0xFFFFFFFF  }
0xaa: {  	s28 =	simm.s32 $_size_execute0_lowered;
	s6 =	sadd.s32 s6, s7;
	[dreg:$0x0] =	wrdreg $0x0  }
0xab: {  	s7 =	sshll.u32 s28, $0x1;
	[dreg:$0x2] =	wrdreg s6  }
0xac: {  	[dreg:$0x3] =	wrdreg s7  }
0xad: {  	[dreg:$0x4] =	wrdreg $0xC0  }
0xae: {  	_ =	task [dreg:s10], $0x5FFFF  }
0xaf: {  	[dreg:$0x1] =	wrdreg $0xFFFFFFFF  }
0xb0: {  	[dreg:$0x0] =	wrdreg $0x60  }
0xb1: {  	[dreg:$0x2] =	wrdreg s2  }
0xb2: {  	[dreg:$0x3] =	wrdreg s19  }
0xb3: {  	[dreg:$0x4] =	wrdreg s4  }
0xb4: {  	[dreg:$0x5] =	wrdreg s5  }
0xb5: {  	[dreg:$0x6] =	wrdreg $0xD8000  }
0xb6: {  	[dreg:$0x7] =	wrdreg $0x9  }
0xb7: {  	_ =	task.clear_ibuf [dreg:s10], $0x8FFFF;
	_ =	strace $0x90000046  }
0xb8: {  	s29 =	simm.s32 $0x9;
	_ =	strace $0x80000048  }
0xb9: {  	_ =	swait.ge [sflag:s29], $0x1  }
0xba: {  	[sflag:s29] =	ssyncadd.s32 $0xFFFFFFFF  }
0xbb: {  	_ =	strace $0x90000048  }
0xbc: {  	_ =	sfence  }
0xbd: {  	s30 =	sld [smem:$0x0];
	_ =	sdelay $0x2  }
0xbe: {  	s31 =	sshll.u32 s1, $0xD;
	s1 =	sshrl.u32 s1, $0x2  }
0xbf: {  	s3 =	sand.u32 $0x4000, s31;
	s1 =	sadd.s32 s1, s30  }
0xc0: {  	s0 =	sor.u32 s3, s0;
	s1 =	sshll.u32 s1, $0x11  }
0xc1: {  	s0 =	sor.u32 s1, s0  }
0xc2: {  	s0 =	sadd.s32 $0x8F2B, s0  }
0xc3: {  	[sflag:s0] =	ssyncadd.remote.s32 $0x1  }
0xc4: {  	_ =	sfence.sel $0xFFFF  }
0xc5: {  	[dreg:$0x0] =	wrdreg $0xFFFFFFFF;
	(pc) =	sbr.abs _section_cstart, $3  }
0xc6: {  	[dreg:$0x1] =	wrdreg $0xFFFFFFFF  }
0xc7: {  	_ =	task.clear_ibuf [dreg:s10], $0x2FFFF;
	_ =	strace $0x9FFFFFFF  }
0xc8: {  	(tm) =	ssettm $0x7FFFFFFF  }
0xc9: {  	_ =	shalt  }
tec
execute0_lowered:
.L_overlay_start_1:
0x0: {  	(tag) =	ssettag $0x1  }
0x1: {  	s0 =	rddreg [dreg:$0x0]  }
0x2: {  	s1 =	rddreg [dreg:$0x1]  }
0x3: {  	s3 =	rddreg [dreg:$0x2]  }
0x4: {  	s5 =	rddreg [dreg:$0x3]  }
0x5: {  	s2 =	rddreg [dreg:$0x4]  }
0x6: {  	s4 =	simm.s32 $0x0;
	s6 =	srdreg.scid;
	s11 =	stileid.u32  }
0x7: {  	s28 =	simm.s32 $0x4;
	s29 =	simm.s32 $0x7;
	s31 =	simm.s32 $0x3  }
0x8: {  	[smem:$0x7FF] =	sst s4;
	s7 =	sand.u32 $0x1, s6;
	s8 =	sshll.u32 s11, $0x1  }
0x9: {  	s10 =	sshll.u32 s11, $0xB;
	s16 =	sshll.u32 s11, $0xE;
	_ =	strace $0x80000047  }
0xa: {  	s6 =	ssub.s32 $0x2, s7;
	s8 =	sor.u32 s7, s8;
	s3 =	sadd.s32 s3, s10  }
0xb: {  	s17 =	sadd.s32 s16, s2;
	s9 =	sshrl.u32 s6, $0x1;
	[dreg:$0x6] =	wrdreg s3  }
0xc: {  	s15 =	sshll.u32 s8, $0x10;
	s8 =	sshll.u32 s8, $0x9;
	[dreg:$0x7] =	wrdreg s17  }
0xd: {  	s9 =	ssub.s32 s6, s9;
	s6 =	sadd.s32 s5, s15;
	s0 =	sadd.s32 s0, s8  }
0xe: {  	s30 =	simm.s32 $0x9;
	[dreg:$0x8] =	wrdreg s0;
	s18 =	sadd.s32 $0x800, s6  }
0xf: {  	s20 =	sshll.u32 s11, $0x14;
	s19 =	sadd.s32 $0xE800, s6;
	[dreg:$0x9] =	wrdreg s18  }
0x10: {  	s21 =	sshll.u32 s7, $0x13;
	s22 =	sadd.s32 $0xF000, s6;
	[dreg:$0xa] =	wrdreg s19  }
0x11: {  	s17 =	simm.s32 $0x1800;
	s23 =	sadd.s32 $0xF800, s6;
	[dreg:$0xb] =	wrdreg s22  }
0x12: {  	s0 =	sor.u32 s21, s20;
	s24 =	smax.u32 s9, $0x1;
	[dreg:$0xc] =	wrdreg s23  }
0x13: {  	s20 =	simm.s32 $0x5800;
	s21 =	simm.s32 $0x1;
	[dreg:$0xd] =	wrdreg s24  }
0x14: {  	s25 =	sor.u32 $0x8000, s0;
	s26 =	sor.u32 $0xC000, s0;
	s0 =	sor.u32 $0x10000, s0  }
0x15: {  	s18 =	simm.s32 $0xA;
	s19 =	simm.s32 $0x80;
	s22 =	simm.s32 $0x1000  }
0x16: {  	s24 =	simm.s32 $0x9800;
	s23 =	simm.s32 $0x8;
	s3 =	sshrl.u32 s25, $0x3  }
0x17: {  	s7 =	sshrl.u32 s26, $0x3;
	s0 =	sshrl.u32 s0, $0x3;
	s25 =	simm.s32 $0x2  }
0x18: {  	s26 =	simm.s32 $0x6;
	s14 =	sadd.s32 s3, s5;
	s15 =	sadd.s32 s7, s5  }
0x19: {  	v0 =	vlaneseq.u32;
	s11 =	sadd.s32 s0, s5;
	s3 =	simm.s32 $0x5;
	s0 =	simm.s32 $0x0  }
.LBB2_1:
0x1a: {  	s5 =	rddreg [dreg:$0x6]  }
0x1b: {  	[tilespmem:s17], [sflag:$0xA] =	stream.linear.gather [hbm4b:s5+s4], $0x4000, $0x38;
	[tilespmem:$0x11800] =	vst v63  }
0x1c: {  	_ =	swait.ge [sflag:s18], $0x4000  }
0x1d: {  	[sflag:s18] =	ssyncset.done $0x0  }
0x1e: {  	s13 =	rddreg [dreg:$0x7];
	[sflag:s18] =	ssyncadd.s32 $0xFFFFC000  }
0x1f: {  	[spmem:s13] =	stream.linear.scatter [tilespmem:s17], [sflag:$0xA], $0x4000, $0x38;
	[tilespmem:$0x11800] =	vst v63  }
0x20: {  	_ =	swait.ge [sflag:s18], $0x4000  }
0x21: {  	[sflag:s18] =	ssyncset.done $0x0  }
0x22: {  	s16 =	rddreg [dreg:$0x8];
	[sflag:s18] =	ssyncadd.s32 $0xFFFFC000  }
0x23: {  	[tilespmem:s4], [sflag:$0xA] =	stream.linear.gather [hbm4b:s16+s4], $0x1000, $0x38;
	[tilespmem:$0x11800] =	vst v63  }
0x24: {  	_ =	swait.ge [sflag:s18], $0x1000  }
0x25: {  	[sflag:s18] =	ssyncset.done $0x0  }
0x26: {  	v1 =	vor.u32 s4, v0;
	[sflag:s18] =	ssyncadd.s32 $0xFFFFF000  }
0x27: {  	s7 =	simm.s32 $0x1000;
	s5 =	simm.s32 $0x10;
	[tilespmem:s22+$0x0] =	vst v1  }
.LBB2_2:
0x28: {  	p0 =	sne.s32 s5, $0x7F0  }
.Ltmp0:
0x29: {  	_ = 	snop;
	(pc) =	sbr.rel @p0 .LBB2_2-.Ltmp0, $3  }
0x2a: {  	_ =	sdelay $0x1  }
0x2b: {  	v1 =	vor.u32 s5, v0;
	s5 =	sadd.s32 $0x10, s5;
	s7 =	sadd.s32 $0x10, s7  }
0x2c: {  	[tilespmem:s7+$0x0] =	vst v1  }
0x2d: {  	[bflag:$0x0] =	sbarrier.arrive $0xFFFF  }
0x2e: {  	[tilespmem:s17], [sflag:$0x1] =	stream.indirect.gather [hbm4b:s1+s19], $0x80, s4, s19, $0xb8;
	[tilespmem:$0x11800] =	vst v63  }
0x2f: {  	_ = 	snop  }
0x30: {  	[tilespmem:s20], [sflag:$0x2] =	stream.indirect.gather [hbm4b:s1+s19], $0x80, s19, s19, $0xb8;
	[tilespmem:$0x11800] =	vst v63  }
0x31: {  	_ =	swait.ge [sflag:s21], $0x4000  }
0x32: {  	[sflag:s21] =	ssyncset.done $0x0  }
0x33: {  	[sflag:s21] =	ssyncadd.s32 $0xFFFFC000  }
0x34: {  	[tilespmem:s17], [sflag:$0x4] =	stream.indirect.gather.add.f32 [spmem:s2], $0x80, s22, s19, $0xb8;
	[tilespmem:$0x11800] =	vst v63  }
0x35: {  	s5 =	simm.s32 $0x100  }
0x36: {  	[tilespmem:s24], [sflag:$0x3] =	stream.indirect.gather [hbm4b:s1+s19], $0x80, s5, s19, $0xb8;
	[tilespmem:$0x11800] =	vst v63  }
0x37: {  	_ =	swait.ge [sflag:s25], $0x4000  }
0x38: {  	[sflag:s25] =	ssyncset.done $0x0  }
0x39: {  	s12 =	simm.s32 $0x1080;
	[sflag:s25] =	ssyncadd.s32 $0xFFFFC000  }
0x3a: {  	[tilespmem:s20], [sflag:$0x5] =	stream.indirect.gather.add.f32 [spmem:s2], $0x80, s12, s19, $0xb8;
	[tilespmem:$0x11800] =	vst v63  }
0x3b: {  	_ =	swait.ge [sflag:s28], $0x4000  }
0x3c: {  	[sflag:s28] =	ssyncset.done $0x0  }
0x3d: {  	[sflag:s28] =	ssyncadd.s32 $0xFFFFC000  }
0x3e: {  	[hbm4b:s6+s4] =	stream.linear.scatter [tilespmem:s17], [sflag:$0x7], $0x4000, $0x38;
	[tilespmem:$0x11800] =	vst v63  }
0x3f: {  	_ =	swait.ge [sflag:s29], $0x4000  }
0x40: {  	[sflag:s29] =	ssyncset.done $0x0  }
0x41: {  	s13 =	simm.s32 $0x180;
	[sflag:s29] =	ssyncadd.s32 $0xFFFFC000  }
0x42: {  	[tilespmem:s17], [sflag:$0x1] =	stream.indirect.gather [hbm4b:s1+s19], $0x80, s13, s19, $0xb8;
	[tilespmem:$0x11800] =	vst v63  }
0x43: {  	_ =	swait.ge [sflag:s31], $0x4000  }
0x44: {  	[sflag:s31] =	ssyncset.done $0x0  }
0x45: {  	s16 =	simm.s32 $0x1100;
	[sflag:s31] =	ssyncadd.s32 $0xFFFFC000  }
0x46: {  	[tilespmem:s24], [sflag:$0x6] =	stream.indirect.gather.add.f32 [spmem:s2], $0x80, s16, s19, $0xb8;
	[tilespmem:$0x11800] =	vst v63  }
0x47: {  	_ =	swait.ge [sflag:s3], $0x4000  }
0x48: {  	[sflag:s3] =	ssyncset.done $0x0  }
0x49: {  	s7 =	rddreg [dreg:$0x9];
	[sflag:s3] =	ssyncadd.s32 $0xFFFFC000  }
0x4a: {  	[hbm4b:s7+s4] =	stream.linear.scatter [tilespmem:s20], [sflag:$0x8], $0x4000, $0x38;
	[tilespmem:$0x11800] =	vst v63  }
0x4b: {  	_ =	swait.ge [sflag:s23], $0x4000  }
0x4c: {  	[sflag:s23] =	ssyncset.done $0x0  }
0x4d: {  	s8 =	simm.s32 $0x200;
	[sflag:s23] =	ssyncadd.s32 $0xFFFFC000  }
0x4e: {  	[tilespmem:s20], [sflag:$0x2] =	stream.indirect.gather [hbm4b:s1+s19], $0x80, s8, s19, $0xb8;
	[tilespmem:$0x11800] =	vst v63  }
0x4f: {  	s9 =	simm.s32 $0x180;
	_ =	swait.ge [sflag:s21], $0x4000  }
0x50: {  	s5 =	sand.u32 $0x780, s9;
	[sflag:s21] =	ssyncset.done $0x0  }
0x51: {  	s5 =	sor.u32 $0x1000, s5;
	[sflag:s21] =	ssyncadd.s32 $0xFFFFC000  }
0x52: {  	[tilespmem:s17], [sflag:$0x4] =	stream.indirect.gather.add.f32 [spmem:s2], $0x80, s5, s19, $0xb8;
	[tilespmem:$0x11800] =	vst v63  }
0x53: {  	_ =	swait.ge [sflag:s26], $0x4000  }
0x54: {  	[sflag:s26] =	ssyncset.done $0x0  }
0x55: {  	[sflag:s26] =	ssyncadd.s32 $0xFFFFC000  }
0x56: {  	[hbm4b:s14+s4] =	stream.linear.scatter [tilespmem:s24], [sflag:$0x9], $0x4000, $0x38;
	[tilespmem:$0x11800] =	vst v63  }
0x57: {  	_ =	swait.ge [sflag:s30], $0x4000  }
0x58: {  	[sflag:s30] =	ssyncset.done $0x0  }
0x59: {  	s10 =	simm.s32 $0x280;
	[sflag:s30] =	ssyncadd.s32 $0xFFFFC000  }
0x5a: {  	[tilespmem:s24], [sflag:$0x3] =	stream.indirect.gather [hbm4b:s1+s19], $0x80, s10, s19, $0xb8;
	[tilespmem:$0x11800] =	vst v63  }
0x5b: {  	s12 =	simm.s32 $0x200;
	_ =	swait.ge [sflag:s25], $0x4000  }
0x5c: {  	s5 =	sand.u32 $0x780, s12;
	[sflag:s25] =	ssyncset.done $0x0  }
0x5d: {  	s5 =	sor.u32 $0x1000, s5;
	[sflag:s25] =	ssyncadd.s32 $0xFFFFC000  }
0x5e: {  	[tilespmem:s20], [sflag:$0x5] =	stream.indirect.gather.add.f32 [spmem:s2], $0x80, s5, s19, $0xb8;
	[tilespmem:$0x11800] =	vst v63  }
0x5f: {  	_ =	swait.ge [sflag:s28], $0x4000  }
0x60: {  	[sflag:s28] =	ssyncset.done $0x0  }
0x61: {  	[sflag:s28] =	ssyncadd.s32 $0xFFFFC000  }
0x62: {  	[hbm4b:s15+s4] =	stream.linear.scatter [tilespmem:s17], [sflag:$0x7], $0x4000, $0x38;
	[tilespmem:$0x11800] =	vst v63  }
0x63: {  	_ =	swait.ge [sflag:s29], $0x4000  }
0x64: {  	[sflag:s29] =	ssyncset.done $0x0  }
0x65: {  	s13 =	simm.s32 $0x300;
	[sflag:s29] =	ssyncadd.s32 $0xFFFFC000  }
0x66: {  	[tilespmem:s17], [sflag:$0x1] =	stream.indirect.gather [hbm4b:s1+s19], $0x80, s13, s19, $0xb8;
	[tilespmem:$0x11800] =	vst v63  }
0x67: {  	s16 =	simm.s32 $0x280;
	_ =	swait.ge [sflag:s31], $0x4000  }
0x68: {  	s5 =	sand.u32 $0x780, s16;
	[sflag:s31] =	ssyncset.done $0x0  }
0x69: {  	s5 =	sor.u32 $0x1000, s5;
	[sflag:s31] =	ssyncadd.s32 $0xFFFFC000  }
0x6a: {  	[tilespmem:s24], [sflag:$0x6] =	stream.indirect.gather.add.f32 [spmem:s2], $0x80, s5, s19, $0xb8;
	[tilespmem:$0x11800] =	vst v63  }
0x6b: {  	s9 =	simm.s32 $0x480;
	s7 =	sadd.s32 $0x1800, s15;
	_ =	swait.ge [sflag:s3], $0x4000  }
0x6c: {  	s8 =	sadd.s32 $0x1800, s11;
	s10 =	sadd.s32 $0x1800, s14;
	[sflag:s3] =	ssyncset.done $0x0  }
0x6d: {  	s16 =	smov.u32 s11;
	s5 =	simm.s32 $0x400;
	[sflag:s3] =	ssyncadd.s32 $0xFFFFC000  }
.LBB2_4:
0x6e: {  	[hbm4b:s16+s4] =	stream.linear.scatter [tilespmem:s20], [sflag:$0x8], $0x4000, $0x38;
	[tilespmem:$0x11800] =	vst v63  }
0x6f: {  	s12 =	smov.u32 s5;
	s16 =	smov.u32 s8  }
0x70: {  	p0 =	sne.s32 s5, $0xE80;
	s5 =	sadd.s32 $0x180, s5;
	_ =	swait.ge [sflag:s23], $0x4000  }
0x71: {  	[sflag:s23] =	ssyncset.done $0x0  }
0x72: {  	s13 =	sadd.s32 $0xFFFFFF00, s9;
	[sflag:s23] =	ssyncadd.s32 $0xFFFFC000  }
0x73: {  	[tilespmem:s20], [sflag:$0x2] =	stream.indirect.gather [hbm4b:s1+s19], $0x80, s13, s19, $0xb8;
	[tilespmem:$0x11800] =	vst v63  }
0x74: {  	s13 =	sadd.s32 $0xFFFFFF00, s12;
	_ =	swait.ge [sflag:s21], $0x4000  }
0x75: {  	s13 =	sand.u32 $0x780, s13;
	[sflag:s21] =	ssyncset.done $0x0  }
0x76: {  	s13 =	sor.u32 $0x1000, s13;
	[sflag:s21] =	ssyncadd.s32 $0xFFFFC000  }
0x77: {  	[tilespmem:s17], [sflag:$0x4] =	stream.indirect.gather.add.f32 [spmem:s2], $0x80, s13, s19, $0xb8;
	[tilespmem:$0x11800] =	vst v63  }
0x78: {  	_ =	swait.ge [sflag:s26], $0x4000  }
0x79: {  	[sflag:s26] =	ssyncset.done $0x0  }
0x7a: {  	[sflag:s26] =	ssyncadd.s32 $0xFFFFC000  }
0x7b: {  	[hbm4b:s10+s4] =	stream.linear.scatter [tilespmem:s24], [sflag:$0x9], $0x4000, $0x38;
	[tilespmem:$0x11800] =	vst v63  }
0x7c: {  	_ =	swait.ge [sflag:s30], $0x4000  }
0x7d: {  	[sflag:s30] =	ssyncset.done $0x0  }
0x7e: {  	s13 =	sadd.s32 $0xFFFFFF80, s9;
	[sflag:s30] =	ssyncadd.s32 $0xFFFFC000  }
0x7f: {  	[tilespmem:s24], [sflag:$0x3] =	stream.indirect.gather [hbm4b:s1+s19], $0x80, s13, s19, $0xb8;
	[tilespmem:$0x11800] =	vst v63  }
0x80: {  	s13 =	sadd.s32 $0xFFFFFF80, s12;
	_ =	swait.ge [sflag:s25], $0x4000  }
0x81: {  	s13 =	sand.u32 $0x780, s13;
	[sflag:s25] =	ssyncset.done $0x0  }
0x82: {  	s13 =	sor.u32 $0x1000, s13;
	[sflag:s25] =	ssyncadd.s32 $0xFFFFC000  }
0x83: {  	[tilespmem:s20], [sflag:$0x5] =	stream.indirect.gather.add.f32 [spmem:s2], $0x80, s13, s19, $0xb8;
	[tilespmem:$0x11800] =	vst v63  }
0x84: {  	_ =	swait.ge [sflag:s28], $0x4000  }
0x85: {  	[sflag:s28] =	ssyncset.done $0x0  }
0x86: {  	[sflag:s28] =	ssyncadd.s32 $0xFFFFC000  }
0x87: {  	[hbm4b:s7+s4] =	stream.linear.scatter [tilespmem:s17], [sflag:$0x7], $0x4000, $0x38;
	[tilespmem:$0x11800] =	vst v63  }
0x88: {  	_ =	swait.ge [sflag:s29], $0x4000  }
0x89: {  	[sflag:s29] =	ssyncset.done $0x0  }
0x8a: {  	[sflag:s29] =	ssyncadd.s32 $0xFFFFC000  }
0x8b: {  	[tilespmem:s17], [sflag:$0x1] =	stream.indirect.gather [hbm4b:s1+s19], $0x80, s9, s19, $0xb8;
	[tilespmem:$0x11800] =	vst v63  }
0x8c: {  	_ =	swait.ge [sflag:s31], $0x4000  }
0x8d: {  	s12 =	sand.u32 $0x780, s12;
	[sflag:s31] =	ssyncset.done $0x0  }
.Ltmp1:
0x8e: {  	s12 =	sor.u32 $0x1000, s12;
	[sflag:s31] =	ssyncadd.s32 $0xFFFFC000;
	(pc) =	sbr.rel @p0 .LBB2_4-.Ltmp1, $4  }
0x8f: {  	[tilespmem:s24], [sflag:$0x6] =	stream.indirect.gather.add.f32 [spmem:s2], $0x80, s12, s19, $0xb8;
	[tilespmem:$0x11800] =	vst v63  }
0x90: {  	_ =	swait.ge [sflag:s3], $0x4000  }
0x91: {  	s8 =	sadd.s32 $0x1800, s8;
	s7 =	sadd.s32 $0x1800, s7;
	[sflag:s3] =	ssyncset.done $0x0  }
0x92: {  	s10 =	sadd.s32 $0x1800, s10;
	s9 =	sadd.s32 $0x180, s9;
	[sflag:s3] =	ssyncadd.s32 $0xFFFFC000  }
0x93: {  	[hbm4b:s16+s4] =	stream.linear.scatter [tilespmem:s20], [sflag:$0x8], $0x4000, $0x38;
	[tilespmem:$0x11800] =	vst v63  }
0x94: {  	_ =	swait.ge [sflag:s23], $0x4000  }
0x95: {  	[sflag:s23] =	ssyncset.done $0x0  }
0x96: {  	s5 =	simm.s32 $0xF80;
	[sflag:s23] =	ssyncadd.s32 $0xFFFFC000  }
0x97: {  	[tilespmem:s20], [sflag:$0x2] =	stream.indirect.gather [hbm4b:s1+s19], $0x80, s5, s19, $0xb8;
	[tilespmem:$0x11800] =	vst v63  }
0x98: {  	_ =	swait.ge [sflag:s21], $0x4000  }
0x99: {  	[sflag:s21] =	ssyncset.done $0x0  }
0x9a: {  	s8 =	simm.s32 $0x1700;
	[sflag:s21] =	ssyncadd.s32 $0xFFFFC000  }
0x9b: {  	[tilespmem:s17], [sflag:$0x4] =	stream.indirect.gather.add.f32 [spmem:s2], $0x80, s8, s19, $0xb8;
	[tilespmem:$0x11800] =	vst v63  }
0x9c: {  	_ =	swait.ge [sflag:s26], $0x4000  }
0x9d: {  	[sflag:s26] =	ssyncset.done $0x0  }
0x9e: {  	s9 =	rddreg [dreg:$0xa];
	[sflag:s26] =	ssyncadd.s32 $0xFFFFC000  }
0x9f: {  	[hbm4b:s9+s4] =	stream.linear.scatter [tilespmem:s24], [sflag:$0x9], $0x4000, $0x38;
	[tilespmem:$0x11800] =	vst v63  }
0xa0: {  	_ =	swait.ge [sflag:s30], $0x4000  }
0xa1: {  	[sflag:s30] =	ssyncset.done $0x0  }
0xa2: {  	[sflag:s30] =	ssyncadd.s32 $0xFFFFC000  }
0xa3: {  	_ =	swait.ge [sflag:s25], $0x4000  }
0xa4: {  	[sflag:s25] =	ssyncset.done $0x0  }
0xa5: {  	s10 =	simm.s32 $0x1780;
	[sflag:s25] =	ssyncadd.s32 $0xFFFFC000  }
0xa6: {  	[tilespmem:s20], [sflag:$0x5] =	stream.indirect.gather.add.f32 [spmem:s2], $0x80, s10, s19, $0xb8;
	[tilespmem:$0x11800] =	vst v63  }
0xa7: {  	_ =	swait.ge [sflag:s28], $0x4000  }
0xa8: {  	[sflag:s28] =	ssyncset.done $0x0  }
0xa9: {  	s12 =	rddreg [dreg:$0xb];
	[sflag:s28] =	ssyncadd.s32 $0xFFFFC000  }
0xaa: {  	[hbm4b:s12+s4] =	stream.linear.scatter [tilespmem:s17], [sflag:$0x7], $0x4000, $0x38;
	[tilespmem:$0x11800] =	vst v63  }
0xab: {  	_ =	swait.ge [sflag:s3], $0x4000  }
0xac: {  	[sflag:s3] =	ssyncset.done $0x0  }
0xad: {  	s13 =	rddreg [dreg:$0xc];
	[sflag:s3] =	ssyncadd.s32 $0xFFFFC000  }
0xae: {  	[hbm4b:s13+s4] =	stream.linear.scatter [tilespmem:s20], [sflag:$0x8], $0x4000, $0x38;
	[tilespmem:$0x11800] =	vst v63  }
0xaf: {  	_ =	swait.ge [sflag:s29], $0x4000  }
0xb0: {  	[sflag:s29] =	ssyncset.done $0x0  }
0xb1: {  	[sflag:s29] =	ssyncadd.s32 $0xFFFFC000  }
0xb2: {  	_ =	swait.ge [sflag:s23], $0x4000  }
0xb3: {  	s0 =	sadd.s32 $0x1, s0;
	s16 =	rddreg [dreg:$0xd]  }
0xb4: {  	p0 =	sne.s32 s0, s16  }
.Ltmp2:
0xb5: {  	_ = 	snop;
	(pc) =	sbr.rel @p0 .LBB2_1-.Ltmp2, $3  }
0xb6: {  	_ =	sdelay $0x1  }
0xb7: {  	[sflag:s23] =	ssyncset.done $0x0  }
0xb8: {  	[sflag:s23] =	ssyncadd.s32 $0xFFFFC000  }
0xb9: {  	_ =	sfence.sel $0x180000  }
0xba: {  	[bflag:$0x0] =	sbarrier.arrive $0xFFFF  }
0xbb: {  	_ =	strace $0x90000047  }
0xbc: {  	s0 =	stileid.u32;
	[bflag:$0x2] =	sbarrier.arrive $0xFFFF  }
0xbd: {  	p0 =	sne.s32 s0, $0x0;
	s0 =	rddreg [dreg:$0x5]  }
0xbe: {  	s0 =	sadd.s32 @!p0 $0x100000, s0  }
0xbf: {  	[sflag:s0] =	ssyncadd.tile.s32 @!p0 $0x1;
	_ =	shalt  }
.Lfunc_end2:
_tile_overlayer_lowered:
.L_overlay_start_2:
0xc0: {  	(tag) =	ssettag $0x2  }
0xc1: {  	s0 =	rddreg [dreg:$0x0];
	s2 =	stileid.u32  }
0xc2: {  	s1 =	rddreg [dreg:$0x1];
	p0 =	sne.s32 s2, $0x0  }
0xc3: {  	s3 =	rddreg [dreg:$0x2];
	[bflag:$0x3] =	sbarrier.arrive $0xFFFF;
	s2 =	simm.s32 @!p0 $0x1C0A  }
0xc4: {  	[timem:s3], [sflag:s2] =	dma.local @!p0 [hbm:s0], s1  }
0xc5: {  	s0 =	simm.s32 @!p0 $0xA  }
0xc6: {  	_ =	swait.ge @!p0 [sflag:s0], s1  }
0xc7: {  	s1 =	ssub.s32 @!p0 $0x0, s1;
	[sflag:s0] =	ssyncset.done @!p0 $0x0  }
0xc8: {  	[sflag:s0] =	ssyncadd.s32 @!p0 s1  }
0xc9: {  	[bflag:$0x3] =	sbarrier.arrive $0xFFFF  }
0xca: {  	_ =	shalt  }

</sc_bundles>
